<compile_context>
chip_gen: v7x
topology: tpu7x:2x2x1
jax: 0.10.2.dev20260603
libtpu: 0.0.44.dev20260713+nightly
codegen_flags: <defaults>
</compile_context>

<pallas_src>
import functools

import jax
import jax.numpy as jnp
from jax import lax
from jax.experimental import pallas as pl
from jax.experimental.pallas import tpu as pltpu
from jax.experimental.pallas import tpu_sc as plsc

_RT = 256
_GT = 1024
_NEG = -3.0e38


def _knn_uv_body(k_, n_, pts_full, pts_rows, f_blk, a_mat, w1b, idx_ref,
                 u_ref, v_ref):
    b = pl.program_id(0)
    pf = pts_full[0]
    pr = pts_rows[0]
    xx_c = jnp.sum(pf * pf, axis=0, keepdims=True)
    xx_r = jnp.sum(pr * pr, axis=0)[:, None]
    acc = lax.dot_general(pr, pf, (((0,), (0,)), ((), ())),
                          preferred_element_type=jnp.float32)
    inner = -2.0 * acc
    P = -xx_r - inner - xx_c
    iota_f = lax.broadcasted_iota(jnp.int32, (_RT, n_), 1).astype(jnp.float32)
    cols = []
    m = jnp.max(P, axis=1, keepdims=True)
    for j in range(k_ + 1):
        jmin = jnp.min(jnp.where(P == m, iota_f, 3.0e38), axis=1,
                       keepdims=True)
        if j > 0:
            cols.append(jmin)
        P = jnp.where(iota_f == jmin, _NEG, P)
        if j < k_:
            m = jnp.max(P, axis=1, keepdims=True)
    idxf = jnp.concatenate(cols, axis=1)
    idx_ref[0] = idxf.astype(jnp.int32) + b * n_
    u_ref[0] = jnp.dot(a_mat[...], f_blk[0],
                       preferred_element_type=jnp.float32).T
    v_ref[0] = jnp.dot(w1b[...], f_blk[0],
                       preferred_element_type=jnp.float32).T


def _knn_uv(points, features, a_mat, w1b, k_):
    bb, _, n_ = points.shape
    c_ = w1b.shape[0]
    grid = (bb, n_ // _RT)
    return pl.pallas_call(
        functools.partial(_knn_uv_body, k_, n_),
        grid=grid,
        in_specs=[
            pl.BlockSpec((1, 3, n_), lambda b, t: (b, 0, 0)),
            pl.BlockSpec((1, 3, _RT), lambda b, t: (b, 0, t)),
            pl.BlockSpec((1, c_, _RT), lambda b, t: (b, 0, t)),
            pl.BlockSpec((c_, c_), lambda b, t: (0, 0)),
            pl.BlockSpec((c_, c_), lambda b, t: (0, 0)),
        ],
        out_specs=[
            pl.BlockSpec((1, _RT, k_), lambda b, t: (b, t, 0)),
            pl.BlockSpec((1, _RT, c_), lambda b, t: (b, t, 0)),
            pl.BlockSpec((1, _RT, c_), lambda b, t: (b, t, 0)),
        ],
        out_shape=[
            jax.ShapeDtypeStruct((bb, n_, k_), jnp.int32),
            jax.ShapeDtypeStruct((bb, n_, c_), jnp.float32),
            jax.ShapeDtypeStruct((bb, n_, c_), jnp.float32),
        ],
    )(points, points, features, a_mat, w1b)


def _sc_gather(v_flat, idx_flat):
    m_, c_ = idx_flat.shape[0], v_flat.shape[1]
    dt = v_flat.dtype
    info = plsc.get_sparse_core_info()
    nw = info.num_cores * info.num_subcores
    per_w = m_ // nw
    ch = 512
    n_ch = per_w // ch
    idx3 = idx_flat.reshape(nw, n_ch, ch)
    mesh = plsc.VectorSubcoreMesh(core_axis_name="c", subcore_axis_name="s")

    @functools.partial(
        pl.kernel, mesh=mesh,
        compiler_params=pltpu.CompilerParams(use_tc_tiling_on_sc=False),
        out_type=jax.ShapeDtypeStruct((m_, c_), dt),
        scratch_types=[
            pltpu.VMEM((n_ch, ch), jnp.int32),
            pltpu.VMEM((ch, c_), dt),
            pltpu.VMEM((ch, c_), dt),
            pltpu.SemaphoreType.DMA,
            pltpu.SemaphoreType.DMA,
        ],
    )
    def k(v_hbm, idx_hbm, out_hbm, idx_v, rows0, rows1, sem0, sem1):
        wid = lax.axis_index("s") * info.num_cores + lax.axis_index("c")
        base = wid * per_w
        pltpu.sync_copy(idx_hbm.at[wid], idx_v)
        bufs = (rows0, rows1)
        sems = (sem0, sem1)
        handles = [None, None]
        handles[0] = pltpu.async_copy(v_hbm.at[idx_v.at[0]], rows0, sem0)
        for i in range(n_ch):
            if i + 1 < n_ch:
                handles[(i + 1) % 2] = pltpu.async_copy(
                    v_hbm.at[idx_v.at[i + 1]], bufs[(i + 1) % 2],
                    sems[(i + 1) % 2])
            handles[i % 2].wait()
            pltpu.sync_copy(bufs[i % 2], out_hbm.at[pl.ds(base + i * ch, ch)])

    return k(v_flat, idx3)


def _pass_a_body(g_ref, u_ref, s1_ref, s2_ref):
    t = pl.program_id(0)
    g = g_ref[...].astype(jnp.float32)
    u = u_ref[...]
    r = _GT // 4
    u4 = jnp.concatenate([u, u, u, u], axis=1)
    u4 = jnp.broadcast_to(u4[:, None, :], (r, 4, 256)).reshape(_GT, 256)
    x = g + u4
    p1 = jnp.sum(x.reshape(8, _GT // 8, 256), axis=1)
    p2 = jnp.sum((x * x).reshape(8, _GT // 8, 256), axis=1)

    @pl.when(t == 0)
    def _():
        s1_ref[...] = jnp.zeros_like(s1_ref)
        s2_ref[...] = jnp.zeros_like(s2_ref)

    s1_ref[...] += p1
    s2_ref[...] += p2


def _pass_a(g4, u_flat):
    m4 = g4.shape[0]
    grid = (m4 // _GT,)
    return pl.pallas_call(
        _pass_a_body,
        grid=grid,
        in_specs=[
            pl.BlockSpec((_GT, 256), lambda t: (t, 0)),
            pl.BlockSpec((_GT // 4, 64), lambda t: (t, 0)),
        ],
        out_specs=[
            pl.BlockSpec((8, 256), lambda t: (0, 0)),
            pl.BlockSpec((8, 256), lambda t: (0, 0)),
        ],
        out_shape=[
            jax.ShapeDtypeStruct((8, 256), jnp.float32),
            jax.ShapeDtypeStruct((8, 256), jnp.float32),
        ],
    )(g4, u_flat)


def _pass_b_body(g_ref, u_ref, ab_ref, sy_ref, syy_ref):
    t = pl.program_id(0)
    g = g_ref[...].astype(jnp.float32)
    u = u_ref[...]
    r = _GT // 4
    u4 = jnp.concatenate([u, u, u, u], axis=1)
    u4 = jnp.broadcast_to(u4[:, None, :], (r, 4, 256)).reshape(_GT, 256)
    a1 = ab_ref[0:1, :]
    c1 = ab_ref[1:2, :]
    y = jnp.maximum(a1 * (g + u4) + c1, 0.0)
    py = jnp.sum(y.reshape(8, _GT // 8, 256), axis=1)
    pyy = lax.dot_general(y, y, (((0,), (0,)), ((), ())),
                          preferred_element_type=jnp.float32)

    @pl.when(t == 0)
    def _():
        sy_ref[...] = jnp.zeros_like(sy_ref)
        syy_ref[...] = jnp.zeros_like(syy_ref)

    sy_ref[...] += py
    syy_ref[...] += pyy


def _pass_b(g4, u_flat, ab):
    m4 = g4.shape[0]
    grid = (m4 // _GT,)
    return pl.pallas_call(
        _pass_b_body,
        grid=grid,
        in_specs=[
            pl.BlockSpec((_GT, 256), lambda t: (t, 0)),
            pl.BlockSpec((_GT // 4, 64), lambda t: (t, 0)),
            pl.BlockSpec((2, 256), lambda t: (0, 0)),
        ],
        out_specs=[
            pl.BlockSpec((8, 256), lambda t: (0, 0)),
            pl.BlockSpec((256, 256), lambda t: (0, 0)),
        ],
        out_shape=[
            jax.ShapeDtypeStruct((8, 256), jnp.float32),
            jax.ShapeDtypeStruct((256, 256), jnp.float32),
        ],
    )(g4, u_flat, ab)


def _pass_c_body(g_ref, u_ref, ab_ref, w2_ref, f_ref, out_ref):
    g = g_ref[...].astype(jnp.float32)
    u = u_ref[...]
    r = _GT // 4
    u4 = jnp.concatenate([u, u, u, u], axis=1)
    u4 = jnp.broadcast_to(u4[:, None, :], (r, 4, 256)).reshape(_GT, 256)
    a1 = ab_ref[0:1, :]
    c1 = ab_ref[1:2, :]
    c2 = ab_ref[2:3, :]
    y = jnp.maximum(a1 * (g + u4) + c1, 0.0)
    z = jnp.dot(y, w2_ref[...],
                preferred_element_type=jnp.float32) + c2
    w = jnp.maximum(z, 0.0)
    t4 = jnp.sum(w.reshape(r, 4, 256), axis=1)
    s = t4[:, 0:64] + t4[:, 64:128] + t4[:, 128:192] + t4[:, 192:256]
    out_ref[0] = jnp.maximum(f_ref[0] + s.T * (1.0 / 16.0), 0.0)


def _pass_c(g4, u_flat, ab, w2blk, features):
    m4 = g4.shape[0]
    bb, c_, n_ = features.shape
    nt = n_ // (_GT // 4)
    grid = (m4 // _GT,)
    return pl.pallas_call(
        _pass_c_body,
        grid=grid,
        in_specs=[
            pl.BlockSpec((_GT, 256), lambda t: (t, 0)),
            pl.BlockSpec((_GT // 4, 64), lambda t: (t, 0)),
            pl.BlockSpec((4, 256), lambda t: (0, 0)),
            pl.BlockSpec((256, 256), lambda t: (0, 0)),
            pl.BlockSpec((1, c_, _GT // 4), lambda t: (t // nt, 0, t % nt)),
        ],
        out_specs=pl.BlockSpec((1, c_, _GT // 4), lambda t: (t // nt, 0, t % nt)),
        out_shape=jax.ShapeDtypeStruct((bb, c_, n_), jnp.float32),
    )(g4, u_flat, ab, w2blk, features)


def kernel(points, features, W1, W2, g1, b1, g2, b2):
    eps = jnp.float32(1e-5)
    bb, _, n_ = points.shape
    c_ = features.shape[1]
    k_ = 16
    m_ = bb * n_ * k_

    w1a, w1b = W1[:, :c_], W1[:, c_:]
    a_mat = w1a - w1b

    idx, u_bnc, v_bnc = _knn_uv(points, features, a_mat, w1b, k_)
    u_flat = u_bnc.reshape(bb * n_, c_)
    v_flat = v_bnc.reshape(bb * n_, c_)
    idx_flat = idx.reshape(m_)

    g_rows = _sc_gather(v_flat.astype(jnp.bfloat16), idx_flat)
    g4 = g_rows.reshape(m_ // 4, 4 * c_)

    s1r, s2r = _pass_a(g4, u_flat)
    sum1 = s1r.sum(axis=0).reshape(4, c_).sum(axis=0)
    sumsq1 = s2r.sum(axis=0).reshape(4, c_).sum(axis=0)
    mf = jnp.float32(m_)
    m1 = sum1 / mf
    var1 = sumsq1 / mf - m1 * m1
    a1 = g1 / jnp.sqrt(var1 + eps)
    c1 = b1 - a1 * m1
    ab1 = jnp.stack([jnp.tile(a1, 4), jnp.tile(c1, 4)])

    syr, syy = _pass_b(g4, u_flat, ab1)
    sy = syr.sum(axis=0).reshape(4, c_).sum(axis=0)
    syy64 = (syy[0:64, 0:64] + syy[64:128, 64:128]
             + syy[128:192, 128:192] + syy[192:256, 192:256])
    m2 = (W2 @ sy) / mf
    e2 = jnp.einsum('oc,cd,od->o', W2, syy64, W2) / mf
    var2 = e2 - m2 * m2
    a2 = g2 / jnp.sqrt(var2 + eps)
    c2 = b2 - a2 * m2
    w2p = a2[:, None] * W2
    zero = jnp.zeros((c_, c_), jnp.float32)
    w2t = w2p.T
    w2blk = jnp.block([
        [w2t, zero, zero, zero],
        [zero, w2t, zero, zero],
        [zero, zero, w2t, zero],
        [zero, zero, zero, w2t],
    ])
    ab2 = jnp.concatenate(
        [ab1, jnp.tile(c2, 4)[None, :], jnp.zeros((1, 4 * c_), jnp.float32)])

    return _pass_c(g4, u_flat, ab2, w2blk, features)

# --- scband reference (transcript-rebuilt; emitter-appended) ---
"""Pipeline reference for scband-edge-conv-block-76338748719429 (READ-ONLY COPY).

The authoritative reference and input builder live on the scoring server;
editing this copy changes nothing except your own understanding.
"""

import jax, jax.numpy as jnp
import numpy as np

B, D, N, C, K = 8, 3, 2048, 64, 16

def setup_inputs(seed: int = 0) -> dict:
    key = jax.random.key(seed)
    ks = jax.random.split(key, 4)
    points = jax.random.normal(ks[0], (B, D, N), dtype=jnp.float32)
    features = jax.random.normal(ks[1], (B, C, N), dtype=jnp.float32)
    W1 = jax.random.normal(ks[2], (C, 2 * C), dtype=jnp.float32) * (1.0 / np.sqrt(2 * C))
    W2 = jax.random.normal(ks[3], (C, C), dtype=jnp.float32) * (1.0 / np.sqrt(C))
    g1 = jnp.ones((C,), dtype=jnp.float32)
    b1 = jnp.zeros((C,), dtype=jnp.float32)
    g2 = jnp.ones((C,), dtype=jnp.float32)
    b2 = jnp.zeros((C,), dtype=jnp.float32)
    return {"points": points, "features": features, "W1": W1, "W2": W2, "g1": g1, "b1": b1, "g2": g2, "b2": b2}

def _knn(x, k):
    # x: [B, D, N]
    inner = -2.0 * jnp.einsum('bdn,bdm->bnm', x, x)
    xx = jnp.sum(x * x, axis=1, keepdims=True)  # [B, 1, N]
    pd = -xx - inner - jnp.transpose(xx, (0, 2, 1))  # [B, N, N]
    _, idx = jax.lax.top_k(pd, k + 1)
    return idx[:, :, 1:]  # drop self, [B, N, k]

def _graph_feature(x, k, idx):
    b, d, n = x.shape
    flat = jnp.transpose(x, (0, 2, 1)).reshape(-1, d)  # [B*N, D]
    idx_base = jnp.arange(b).reshape(b, 1, 1) * n
    idxf = (idx + idx_base).reshape(-1)
    fts = flat[idxf].reshape(b, n, k, d)
    fts = jnp.transpose(fts, (0, 3, 1, 2))  # [B, D, N, k]
    xe = jnp.broadcast_to(x[:, :, :, None], (b, d, n, k))
    return jnp.concatenate([xe, fts - xe], axis=1)  # [B, 2D, N, k]

def _bn(x, g, b, eps=1e-5):
    mean = jnp.mean(x, axis=(0, 2, 3), keepdims=True)
    var = jnp.mean((x - mean) ** 2, axis=(0, 2, 3), keepdims=True)
    return g.reshape(1, -1, 1, 1) * (x - mean) / jnp.sqrt(var + eps) + b.reshape(1, -1, 1, 1)

def reference(points, features, W1, W2, g1, b1, g2, b2):
    idx = _knn(points, K)
    x = _graph_feature(features, K, idx)  # [B, 2C, N, K]
    x = jnp.einsum('oc,bcnk->bonk', W1, x)
    x = jax.nn.relu(_bn(x, g1, b1))
    x = jnp.einsum('oc,bcnk->bonk', W2, x)
    x = jax.nn.relu(_bn(x, g2, b2))
    fts = jnp.mean(x, axis=-1)  # [B, C, N]
    # in_feat == out_feats[-1] -> identity shortcut
    return jax.nn.relu(features + fts)

if __name__ == "__main__":
    import jax
    _d = setup_inputs()
    print(jax.jit(kernel)(*tuple(_d.values())))

</pallas_src>

<mosaic_0001>
#map = affine_map<(d0, d1) -> (0, 0)>
#map1 = affine_map<(d0, d1) -> (0, 0, 0)>
module attributes {stable_mosaic.version = 14 : i64} {
  func.func @k(%arg0: i32, %arg1: i32, %arg2: memref<16384x64xbf16, #tpu.memory_space<hbm>>, %arg3: memref<32x16x512xi32, #tpu.memory_space<hbm>>, %arg4: memref<262144x64xbf16, #tpu.memory_space<hbm>>, %arg5: memref<16x512xi32, #tpu.memory_space<vmem>>, %arg6: memref<512x64xbf16, #tpu.memory_space<vmem>>, %arg7: memref<512x64xbf16, #tpu.memory_space<vmem>>, %arg8: memref<!tpu.dma_semaphore, #tpu.memory_space<semaphore_mem>>, %arg9: memref<!tpu.dma_semaphore, #tpu.memory_space<semaphore_mem>>) attributes {dimension_semantics = [#tpu.dimension_semantics<core_parallel>, #tpu.dimension_semantics<subcore_parallel>], iteration_bounds = array<i64: 2, 16>, scalar_prefetch = 0 : i64, scratch_operands = 5 : i64, tpu.core_type = #tpu.core_type<sc_vector_subcore>, window_params = [{transform_indices = #map}, {transform_indices = #map1}, {transform_indices = #map}]} {
    %mul3A = arith.constant 2 : i32
    %mul3A_0 = arith.muli %arg1, %mul3A : i32
    %add3A = arith.addi %mul3A_0, %arg0 : i32
    %mul3A_1 = arith.constant 8192 : i32
    %mul3A_2 = arith.muli %add3A, %mul3A_1 : i32
    "tpu.region"() ({
      %run_scoped3A = tpu.sem_alloc : memref<!tpu.dma_semaphore, #tpu.memory_space<semaphore_mem>>
      %dma_start3A_257 = arith.constant 0 : i32
      %dma_start3A_258 = arith.constant 0 : i32
      %dma_start3A_259 = tpu.memref_slice %arg3[%add3A, %dma_start3A_257, %dma_start3A_258] : memref<32x16x512xi32, #tpu.memory_space<hbm>> -> memref<1x16x512xi32, #tpu.memory_space<hbm>>
      %dma_start3A_260 = tpu.memref_squeeze %dma_start3A_259 : memref<1x16x512xi32, #tpu.memory_space<hbm>> -> memref<16x512xi32, #tpu.memory_space<hbm>>
      %dma_start3A_261 = arith.constant 0 : i32
      %dma_start3A_262 = arith.constant 0 : i32
      %dma_start3A_263 = tpu.memref_slice %arg3[%add3A, %dma_start3A_261, %dma_start3A_262] : memref<32x16x512xi32, #tpu.memory_space<hbm>> -> memref<1x16x512xi32, #tpu.memory_space<hbm>>
      %dma_start3A_264 = tpu.memref_squeeze %dma_start3A_263 : memref<1x16x512xi32, #tpu.memory_space<hbm>> -> memref<16x512xi32, #tpu.memory_space<hbm>>
      tpu.enqueue_dma source(%dma_start3A_264 : memref<16x512xi32, #tpu.memory_space<hbm>>) target(%arg5 : memref<16x512xi32, #tpu.memory_space<vmem>>) target_semaphore(%run_scoped3A : memref<!tpu.dma_semaphore, #tpu.memory_space<semaphore_mem>>)
      %dma_wait3A_265 = arith.constant 0 : i32
      %dma_wait3A_266 = arith.constant 0 : i32
      %dma_wait3A_267 = tpu.memref_slice %arg3[%add3A, %dma_wait3A_265, %dma_wait3A_266] : memref<32x16x512xi32, #tpu.memory_space<hbm>> -> memref<1x16x512xi32, #tpu.memory_space<hbm>>
      %dma_wait3A_268 = tpu.memref_squeeze %dma_wait3A_267 : memref<1x16x512xi32, #tpu.memory_space<hbm>> -> memref<16x512xi32, #tpu.memory_space<hbm>>
      %dma_wait3A_269 = arith.constant 0 : i32
      %dma_wait3A_270 = arith.constant 0 : i32
      %dma_wait3A_271 = tpu.memref_slice %arg3[%add3A, %dma_wait3A_269, %dma_wait3A_270] : memref<32x16x512xi32, #tpu.memory_space<hbm>> -> memref<1x16x512xi32, #tpu.memory_space<hbm>>
      %dma_wait3A_272 = tpu.memref_squeeze %dma_wait3A_271 : memref<1x16x512xi32, #tpu.memory_space<hbm>> -> memref<16x512xi32, #tpu.memory_space<hbm>>
      tpu.wait_dma2 semaphore(%run_scoped3A : memref<!tpu.dma_semaphore, #tpu.memory_space<semaphore_mem>>) src(%dma_wait3A_272 : memref<16x512xi32, #tpu.memory_space<hbm>>) dst(%arg5 : memref<16x512xi32, #tpu.memory_space<vmem>>)
      tpu.yield
    }) : () -> ()
    %dma_start3A = arith.constant 0 : i32
    %dma_start3A_3 = arith.constant 0 : i32
    %dma_start3A_4 = tpu.memref_slice %arg5[%dma_start3A, %dma_start3A_3] : memref<16x512xi32, #tpu.memory_space<vmem>> -> memref<1x512xi32, #tpu.memory_space<vmem>>
    %dma_start3A_5 = tpu.memref_squeeze %dma_start3A_4 : memref<1x512xi32, #tpu.memory_space<vmem>> -> memref<512xi32, #tpu.memory_space<vmem>>
    %dma_start3A_6 = arith.constant 0 : i32
    %dma_start3A_7 = arith.constant 0 : i32
    %dma_start3A_8 = tpu.memref_slice %arg2[%dma_start3A_6, %dma_start3A_7] : memref<16384x64xbf16, #tpu.memory_space<hbm>> -> memref<16384x64xbf16, #tpu.memory_space<hbm>>
    tpu.enqueue_indirect_dma source(%dma_start3A_8 : memref<16384x64xbf16, #tpu.memory_space<hbm>>) target(%arg6 : memref<512x64xbf16, #tpu.memory_space<vmem>>) offsets(%dma_start3A_5 : memref<512xi32, #tpu.memory_space<vmem>>) semaphore(%arg8 : memref<!tpu.dma_semaphore, #tpu.memory_space<semaphore_mem>>)
    %dma_start3A_9 = arith.constant 1 : i32
    %dma_start3A_10 = arith.constant 0 : i32
    %dma_start3A_11 = tpu.memref_slice %arg5[%dma_start3A_9, %dma_start3A_10] : memref<16x512xi32, #tpu.memory_space<vmem>> -> memref<1x512xi32, #tpu.memory_space<vmem>>
    %dma_start3A_12 = tpu.memref_squeeze %dma_start3A_11 : memref<1x512xi32, #tpu.memory_space<vmem>> -> memref<512xi32, #tpu.memory_space<vmem>>
    %dma_start3A_13 = arith.constant 0 : i32
    %dma_start3A_14 = arith.constant 0 : i32
    %dma_start3A_15 = tpu.memref_slice %arg2[%dma_start3A_13, %dma_start3A_14] : memref<16384x64xbf16, #tpu.memory_space<hbm>> -> memref<16384x64xbf16, #tpu.memory_space<hbm>>
    tpu.enqueue_indirect_dma source(%dma_start3A_15 : memref<16384x64xbf16, #tpu.memory_space<hbm>>) target(%arg7 : memref<512x64xbf16, #tpu.memory_space<vmem>>) offsets(%dma_start3A_12 : memref<512xi32, #tpu.memory_space<vmem>>) semaphore(%arg9 : memref<!tpu.dma_semaphore, #tpu.memory_space<semaphore_mem>>)
    %dma_wait3A = arith.constant 0 : i32
    %dma_wait3A_16 = arith.constant 0 : i32
    %dma_wait3A_17 = tpu.memref_slice %arg5[%dma_wait3A, %dma_wait3A_16] : memref<16x512xi32, #tpu.memory_space<vmem>> -> memref<1x512xi32, #tpu.memory_space<vmem>>
    %dma_wait3A_18 = tpu.memref_squeeze %dma_wait3A_17 : memref<1x512xi32, #tpu.memory_space<vmem>> -> memref<512xi32, #tpu.memory_space<vmem>>
    %dma_wait3A_19 = arith.constant 0 : i32
    %dma_wait3A_20 = arith.constant 0 : i32
    %dma_wait3A_21 = tpu.memref_slice %arg2[%dma_wait3A_19, %dma_wait3A_20] : memref<16384x64xbf16, #tpu.memory_space<hbm>> -> memref<16384x64xbf16, #tpu.memory_space<hbm>>
    tpu.wait_indirect_dma semaphore(%arg8 : memref<!tpu.dma_semaphore, #tpu.memory_space<semaphore_mem>>) src(%dma_wait3A_21 : memref<16384x64xbf16, #tpu.memory_space<hbm>>) dst(%arg6 : memref<512x64xbf16, #tpu.memory_space<vmem>>)
    %add3A_22 = arith.constant 0 : i32
    %add3A_23 = arith.addi %mul3A_2, %add3A_22 : i32
    "tpu.region"() ({
      %run_scoped3A = tpu.sem_alloc : memref<!tpu.dma_semaphore, #tpu.memory_space<semaphore_mem>>
      %dma_start3A_257 = arith.constant 0 : i32
      %dma_start3A_258 = tpu.memref_slice %arg4[%add3A_23, %dma_start3A_257] : memref<262144x64xbf16, #tpu.memory_space<hbm>> -> memref<512x64xbf16, #tpu.memory_space<hbm>>
      %dma_start3A_259 = arith.constant 0 : i32
      %dma_start3A_260 = tpu.memref_slice %arg4[%add3A_23, %dma_start3A_259] : memref<262144x64xbf16, #tpu.memory_space<hbm>> -> memref<512x64xbf16, #tpu.memory_space<hbm>>
      tpu.enqueue_dma source(%arg6 : memref<512x64xbf16, #tpu.memory_space<vmem>>) target(%dma_start3A_260 : memref<512x64xbf16, #tpu.memory_space<hbm>>) target_semaphore(%run_scoped3A : memref<!tpu.dma_semaphore, #tpu.memory_space<semaphore_mem>>)
      %dma_wait3A_261 = arith.constant 0 : i32
      %dma_wait3A_262 = tpu.memref_slice %arg4[%add3A_23, %dma_wait3A_261] : memref<262144x64xbf16, #tpu.memory_space<hbm>> -> memref<512x64xbf16, #tpu.memory_space<hbm>>
      %dma_wait3A_263 = arith.constant 0 : i32
      %dma_wait3A_264 = tpu.memref_slice %arg4[%add3A_23, %dma_wait3A_263] : memref<262144x64xbf16, #tpu.memory_space<hbm>> -> memref<512x64xbf16, #tpu.memory_space<hbm>>
      tpu.wait_dma2 semaphore(%run_scoped3A : memref<!tpu.dma_semaphore, #tpu.memory_space<semaphore_mem>>) src(%arg6 : memref<512x64xbf16, #tpu.memory_space<vmem>>) dst(%dma_wait3A_264 : memref<512x64xbf16, #tpu.memory_space<hbm>>)
      tpu.yield
    }) : () -> ()
    %dma_start3A_24 = arith.constant 2 : i32
    %dma_start3A_25 = arith.constant 0 : i32
    %dma_start3A_26 = tpu.memref_slice %arg5[%dma_start3A_24, %dma_start3A_25] : memref<16x512xi32, #tpu.memory_space<vmem>> -> memref<1x512xi32, #tpu.memory_space<vmem>>
    %dma_start3A_27 = tpu.memref_squeeze %dma_start3A_26 : memref<1x512xi32, #tpu.memory_space<vmem>> -> memref<512xi32, #tpu.memory_space<vmem>>
    %dma_start3A_28 = arith.constant 0 : i32
    %dma_start3A_29 = arith.constant 0 : i32
    %dma_start3A_30 = tpu.memref_slice %arg2[%dma_start3A_28, %dma_start3A_29] : memref<16384x64xbf16, #tpu.memory_space<hbm>> -> memref<16384x64xbf16, #tpu.memory_space<hbm>>
    tpu.enqueue_indirect_dma source(%dma_start3A_30 : memref<16384x64xbf16, #tpu.memory_space<hbm>>) target(%arg6 : memref<512x64xbf16, #tpu.memory_space<vmem>>) offsets(%dma_start3A_27 : memref<512xi32, #tpu.memory_space<vmem>>) semaphore(%arg8 : memref<!tpu.dma_semaphore, #tpu.memory_space<semaphore_mem>>)
    %dma_wait3A_31 = arith.constant 1 : i32
    %dma_wait3A_32 = arith.constant 0 : i32
    %dma_wait3A_33 = tpu.memref_slice %arg5[%dma_wait3A_31, %dma_wait3A_32] : memref<16x512xi32, #tpu.memory_space<vmem>> -> memref<1x512xi32, #tpu.memory_space<vmem>>
    %dma_wait3A_34 = tpu.memref_squeeze %dma_wait3A_33 : memref<1x512xi32, #tpu.memory_space<vmem>> -> memref<512xi32, #tpu.memory_space<vmem>>
    %dma_wait3A_35 = arith.constant 0 : i32
    %dma_wait3A_36 = arith.constant 0 : i32
    %dma_wait3A_37 = tpu.memref_slice %arg2[%dma_wait3A_35, %dma_wait3A_36] : memref<16384x64xbf16, #tpu.memory_space<hbm>> -> memref<16384x64xbf16, #tpu.memory_space<hbm>>
    tpu.wait_indirect_dma semaphore(%arg9 : memref<!tpu.dma_semaphore, #tpu.memory_space<semaphore_mem>>) src(%dma_wait3A_37 : memref<16384x64xbf16, #tpu.memory_space<hbm>>) dst(%arg7 : memref<512x64xbf16, #tpu.memory_space<vmem>>)
    %add3A_38 = arith.constant 512 : i32
    %add3A_39 = arith.addi %mul3A_2, %add3A_38 : i32
    "tpu.region"() ({
      %run_scoped3A = tpu.sem_alloc : memref<!tpu.dma_semaphore, #tpu.memory_space<semaphore_mem>>
      %dma_start3A_257 = arith.constant 0 : i32
      %dma_start3A_258 = tpu.memref_slice %arg4[%add3A_39, %dma_start3A_257] : memref<262144x64xbf16, #tpu.memory_space<hbm>> -> memref<512x64xbf16, #tpu.memory_space<hbm>>
      %dma_start3A_259 = arith.constant 0 : i32
      %dma_start3A_260 = tpu.memref_slice %arg4[%add3A_39, %dma_start3A_259] : memref<262144x64xbf16, #tpu.memory_space<hbm>> -> memref<512x64xbf16, #tpu.memory_space<hbm>>
      tpu.enqueue_dma source(%arg7 : memref<512x64xbf16, #tpu.memory_space<vmem>>) target(%dma_start3A_260 : memref<512x64xbf16, #tpu.memory_space<hbm>>) target_semaphore(%run_scoped3A : memref<!tpu.dma_semaphore, #tpu.memory_space<semaphore_mem>>)
      %dma_wait3A_261 = arith.constant 0 : i32
      %dma_wait3A_262 = tpu.memref_slice %arg4[%add3A_39, %dma_wait3A_261] : memref<262144x64xbf16, #tpu.memory_space<hbm>> -> memref<512x64xbf16, #tpu.memory_space<hbm>>
      %dma_wait3A_263 = arith.constant 0 : i32
      %dma_wait3A_264 = tpu.memref_slice %arg4[%add3A_39, %dma_wait3A_263] : memref<262144x64xbf16, #tpu.memory_space<hbm>> -> memref<512x64xbf16, #tpu.memory_space<hbm>>
      tpu.wait_dma2 semaphore(%run_scoped3A : memref<!tpu.dma_semaphore, #tpu.memory_space<semaphore_mem>>) src(%arg7 : memref<512x64xbf16, #tpu.memory_space<vmem>>) dst(%dma_wait3A_264 : memref<512x64xbf16, #tpu.memory_space<hbm>>)
      tpu.yield
    }) : () -> ()
    %dma_start3A_40 = arith.constant 3 : i32
    %dma_start3A_41 = arith.constant 0 : i32
    %dma_start3A_42 = tpu.memref_slice %arg5[%dma_start3A_40, %dma_start3A_41] : memref<16x512xi32, #tpu.memory_space<vmem>> -> memref<1x512xi32, #tpu.memory_space<vmem>>
    %dma_start3A_43 = tpu.memref_squeeze %dma_start3A_42 : memref<1x512xi32, #tpu.memory_space<vmem>> -> memref<512xi32, #tpu.memory_space<vmem>>
    %dma_start3A_44 = arith.constant 0 : i32
    %dma_start3A_45 = arith.constant 0 : i32
    %dma_start3A_46 = tpu.memref_slice %arg2[%dma_start3A_44, %dma_start3A_45] : memref<16384x64xbf16, #tpu.memory_space<hbm>> -> memref<16384x64xbf16, #tpu.memory_space<hbm>>
    tpu.enqueue_indirect_dma source(%dma_start3A_46 : memref<16384x64xbf16, #tpu.memory_space<hbm>>) target(%arg7 : memref<512x64xbf16, #tpu.memory_space<vmem>>) offsets(%dma_start3A_43 : memref<512xi32, #tpu.memory_space<vmem>>) semaphore(%arg9 : memref<!tpu.dma_semaphore, #tpu.memory_space<semaphore_mem>>)
    %dma_wait3A_47 = arith.constant 2 : i32
    %dma_wait3A_48 = arith.constant 0 : i32
    %dma_wait3A_49 = tpu.memref_slice %arg5[%dma_wait3A_47, %dma_wait3A_48] : memref<16x512xi32, #tpu.memory_space<vmem>> -> memref<1x512xi32, #tpu.memory_space<vmem>>
    %dma_wait3A_50 = tpu.memref_squeeze %dma_wait3A_49 : memref<1x512xi32, #tpu.memory_space<vmem>> -> memref<512xi32, #tpu.memory_space<vmem>>
    %dma_wait3A_51 = arith.constant 0 : i32
    %dma_wait3A_52 = arith.constant 0 : i32
    %dma_wait3A_53 = tpu.memref_slice %arg2[%dma_wait3A_51, %dma_wait3A_52] : memref<16384x64xbf16, #tpu.memory_space<hbm>> -> memref<16384x64xbf16, #tpu.memory_space<hbm>>
    tpu.wait_indirect_dma semaphore(%arg8 : memref<!tpu.dma_semaphore, #tpu.memory_space<semaphore_mem>>) src(%dma_wait3A_53 : memref<16384x64xbf16, #tpu.memory_space<hbm>>) dst(%arg6 : memref<512x64xbf16, #tpu.memory_space<vmem>>)
    %add3A_54 = arith.constant 1024 : i32
    %add3A_55 = arith.addi %mul3A_2, %add3A_54 : i32
    "tpu.region"() ({
      %run_scoped3A = tpu.sem_alloc : memref<!tpu.dma_semaphore, #tpu.memory_space<semaphore_mem>>
      %dma_start3A_257 = arith.constant 0 : i32
      %dma_start3A_258 = tpu.memref_slice %arg4[%add3A_55, %dma_start3A_257] : memref<262144x64xbf16, #tpu.memory_space<hbm>> -> memref<512x64xbf16, #tpu.memory_space<hbm>>
      %dma_start3A_259 = arith.constant 0 : i32
      %dma_start3A_260 = tpu.memref_slice %arg4[%add3A_55, %dma_start3A_259] : memref<262144x64xbf16, #tpu.memory_space<hbm>> -> memref<512x64xbf16, #tpu.memory_space<hbm>>
      tpu.enqueue_dma source(%arg6 : memref<512x64xbf16, #tpu.memory_space<vmem>>) target(%dma_start3A_260 : memref<512x64xbf16, #tpu.memory_space<hbm>>) target_semaphore(%run_scoped3A : memref<!tpu.dma_semaphore, #tpu.memory_space<semaphore_mem>>)
      %dma_wait3A_261 = arith.constant 0 : i32
      %dma_wait3A_262 = tpu.memref_slice %arg4[%add3A_55, %dma_wait3A_261] : memref<262144x64xbf16, #tpu.memory_space<hbm>> -> memref<512x64xbf16, #tpu.memory_space<hbm>>
      %dma_wait3A_263 = arith.constant 0 : i32
      %dma_wait3A_264 = tpu.memref_slice %arg4[%add3A_55, %dma_wait3A_263] : memref<262144x64xbf16, #tpu.memory_space<hbm>> -> memref<512x64xbf16, #tpu.memory_space<hbm>>
      tpu.wait_dma2 semaphore(%run_scoped3A : memref<!tpu.dma_semaphore, #tpu.memory_space<semaphore_mem>>) src(%arg6 : memref<512x64xbf16, #tpu.memory_space<vmem>>) dst(%dma_wait3A_264 : memref<512x64xbf16, #tpu.memory_space<hbm>>)
      tpu.yield
    }) : () -> ()
    %dma_start3A_56 = arith.constant 4 : i32
    %dma_start3A_57 = arith.constant 0 : i32
    %dma_start3A_58 = tpu.memref_slice %arg5[%dma_start3A_56, %dma_start3A_57] : memref<16x512xi32, #tpu.memory_space<vmem>> -> memref<1x512xi32, #tpu.memory_space<vmem>>
    %dma_start3A_59 = tpu.memref_squeeze %dma_start3A_58 : memref<1x512xi32, #tpu.memory_space<vmem>> -> memref<512xi32, #tpu.memory_space<vmem>>
    %dma_start3A_60 = arith.constant 0 : i32
    %dma_start3A_61 = arith.constant 0 : i32
    %dma_start3A_62 = tpu.memref_slice %arg2[%dma_start3A_60, %dma_start3A_61] : memref<16384x64xbf16, #tpu.memory_space<hbm>> -> memref<16384x64xbf16, #tpu.memory_space<hbm>>
    tpu.enqueue_indirect_dma source(%dma_start3A_62 : memref<16384x64xbf16, #tpu.memory_space<hbm>>) target(%arg6 : memref<512x64xbf16, #tpu.memory_space<vmem>>) offsets(%dma_start3A_59 : memref<512xi32, #tpu.memory_space<vmem>>) semaphore(%arg8 : memref<!tpu.dma_semaphore, #tpu.memory_space<semaphore_mem>>)
    %dma_wait3A_63 = arith.constant 3 : i32
    %dma_wait3A_64 = arith.constant 0 : i32
    %dma_wait3A_65 = tpu.memref_slice %arg5[%dma_wait3A_63, %dma_wait3A_64] : memref<16x512xi32, #tpu.memory_space<vmem>> -> memref<1x512xi32, #tpu.memory_space<vmem>>
    %dma_wait3A_66 = tpu.memref_squeeze %dma_wait3A_65 : memref<1x512xi32, #tpu.memory_space<vmem>> -> memref<512xi32, #tpu.memory_space<vmem>>
    %dma_wait3A_67 = arith.constant 0 : i32
    %dma_wait3A_68 = arith.constant 0 : i32
    %dma_wait3A_69 = tpu.memref_slice %arg2[%dma_wait3A_67, %dma_wait3A_68] : memref<16384x64xbf16, #tpu.memory_space<hbm>> -> memref<16384x64xbf16, #tpu.memory_space<hbm>>
    tpu.wait_indirect_dma semaphore(%arg9 : memref<!tpu.dma_semaphore, #tpu.memory_space<semaphore_mem>>) src(%dma_wait3A_69 : memref<16384x64xbf16, #tpu.memory_space<hbm>>) dst(%arg7 : memref<512x64xbf16, #tpu.memory_space<vmem>>)
    %add3A_70 = arith.constant 1536 : i32
    %add3A_71 = arith.addi %mul3A_2, %add3A_70 : i32
    "tpu.region"() ({
      %run_scoped3A = tpu.sem_alloc : memref<!tpu.dma_semaphore, #tpu.memory_space<semaphore_mem>>
      %dma_start3A_257 = arith.constant 0 : i32
      %dma_start3A_258 = tpu.memref_slice %arg4[%add3A_71, %dma_start3A_257] : memref<262144x64xbf16, #tpu.memory_space<hbm>> -> memref<512x64xbf16, #tpu.memory_space<hbm>>
      %dma_start3A_259 = arith.constant 0 : i32
      %dma_start3A_260 = tpu.memref_slice %arg4[%add3A_71, %dma_start3A_259] : memref<262144x64xbf16, #tpu.memory_space<hbm>> -> memref<512x64xbf16, #tpu.memory_space<hbm>>
      tpu.enqueue_dma source(%arg7 : memref<512x64xbf16, #tpu.memory_space<vmem>>) target(%dma_start3A_260 : memref<512x64xbf16, #tpu.memory_space<hbm>>) target_semaphore(%run_scoped3A : memref<!tpu.dma_semaphore, #tpu.memory_space<semaphore_mem>>)
      %dma_wait3A_261 = arith.constant 0 : i32
      %dma_wait3A_262 = tpu.memref_slice %arg4[%add3A_71, %dma_wait3A_261] : memref<262144x64xbf16, #tpu.memory_space<hbm>> -> memref<512x64xbf16, #tpu.memory_space<hbm>>
      %dma_wait3A_263 = arith.constant 0 : i32
      %dma_wait3A_264 = tpu.memref_slice %arg4[%add3A_71, %dma_wait3A_263] : memref<262144x64xbf16, #tpu.memory_space<hbm>> -> memref<512x64xbf16, #tpu.memory_space<hbm>>
      tpu.wait_dma2 semaphore(%run_scoped3A : memref<!tpu.dma_semaphore, #tpu.memory_space<semaphore_mem>>) src(%arg7 : memref<512x64xbf16, #tpu.memory_space<vmem>>) dst(%dma_wait3A_264 : memref<512x64xbf16, #tpu.memory_space<hbm>>)
      tpu.yield
    }) : () -> ()
    %dma_start3A_72 = arith.constant 5 : i32
    %dma_start3A_73 = arith.constant 0 : i32
    %dma_start3A_74 = tpu.memref_slice %arg5[%dma_start3A_72, %dma_start3A_73] : memref<16x512xi32, #tpu.memory_space<vmem>> -> memref<1x512xi32, #tpu.memory_space<vmem>>
    %dma_start3A_75 = tpu.memref_squeeze %dma_start3A_74 : memref<1x512xi32, #tpu.memory_space<vmem>> -> memref<512xi32, #tpu.memory_space<vmem>>
    %dma_start3A_76 = arith.constant 0 : i32
    %dma_start3A_77 = arith.constant 0 : i32
    %dma_start3A_78 = tpu.memref_slice %arg2[%dma_start3A_76, %dma_start3A_77] : memref<16384x64xbf16, #tpu.memory_space<hbm>> -> memref<16384x64xbf16, #tpu.memory_space<hbm>>
    tpu.enqueue_indirect_dma source(%dma_start3A_78 : memref<16384x64xbf16, #tpu.memory_space<hbm>>) target(%arg7 : memref<512x64xbf16, #tpu.memory_space<vmem>>) offsets(%dma_start3A_75 : memref<512xi32, #tpu.memory_space<vmem>>) semaphore(%arg9 : memref<!tpu.dma_semaphore, #tpu.memory_space<semaphore_mem>>)
    %dma_wait3A_79 = arith.constant 4 : i32
    %dma_wait3A_80 = arith.constant 0 : i32
    %dma_wait3A_81 = tpu.memref_slice %arg5[%dma_wait3A_79, %dma_wait3A_80] : memref<16x512xi32, #tpu.memory_space<vmem>> -> memref<1x512xi32, #tpu.memory_space<vmem>>
    %dma_wait3A_82 = tpu.memref_squeeze %dma_wait3A_81 : memref<1x512xi32, #tpu.memory_space<vmem>> -> memref<512xi32, #tpu.memory_space<vmem>>
    %dma_wait3A_83 = arith.constant 0 : i32
    %dma_wait3A_84 = arith.constant 0 : i32
    %dma_wait3A_85 = tpu.memref_slice %arg2[%dma_wait3A_83, %dma_wait3A_84] : memref<16384x64xbf16, #tpu.memory_space<hbm>> -> memref<16384x64xbf16, #tpu.memory_space<hbm>>
    tpu.wait_indirect_dma semaphore(%arg8 : memref<!tpu.dma_semaphore, #tpu.memory_space<semaphore_mem>>) src(%dma_wait3A_85 : memref<16384x64xbf16, #tpu.memory_space<hbm>>) dst(%arg6 : memref<512x64xbf16, #tpu.memory_space<vmem>>)
    %add3A_86 = arith.constant 2048 : i32
    %add3A_87 = arith.addi %mul3A_2, %add3A_86 : i32
    "tpu.region"() ({
      %run_scoped3A = tpu.sem_alloc : memref<!tpu.dma_semaphore, #tpu.memory_space<semaphore_mem>>
      %dma_start3A_257 = arith.constant 0 : i32
      %dma_start3A_258 = tpu.memref_slice %arg4[%add3A_87, %dma_start3A_257] : memref<262144x64xbf16, #tpu.memory_space<hbm>> -> memref<512x64xbf16, #tpu.memory_space<hbm>>
      %dma_start3A_259 = arith.constant 0 : i32
      %dma_start3A_260 = tpu.memref_slice %arg4[%add3A_87, %dma_start3A_259] : memref<262144x64xbf16, #tpu.memory_space<hbm>> -> memref<512x64xbf16, #tpu.memory_space<hbm>>
      tpu.enqueue_dma source(%arg6 : memref<512x64xbf16, #tpu.memory_space<vmem>>) target(%dma_start3A_260 : memref<512x64xbf16, #tpu.memory_space<hbm>>) target_semaphore(%run_scoped3A : memref<!tpu.dma_semaphore, #tpu.memory_space<semaphore_mem>>)
      %dma_wait3A_261 = arith.constant 0 : i32
      %dma_wait3A_262 = tpu.memref_slice %arg4[%add3A_87, %dma_wait3A_261] : memref<262144x64xbf16, #tpu.memory_space<hbm>> -> memref<512x64xbf16, #tpu.memory_space<hbm>>
      %dma_wait3A_263 = arith.constant 0 : i32
      %dma_wait3A_264 = tpu.memref_slice %arg4[%add3A_87, %dma_wait3A_263] : memref<262144x64xbf16, #tpu.memory_space<hbm>> -> memref<512x64xbf16, #tpu.memory_space<hbm>>
      tpu.wait_dma2 semaphore(%run_scoped3A : memref<!tpu.dma_semaphore, #tpu.memory_space<semaphore_mem>>) src(%arg6 : memref<512x64xbf16, #tpu.memory_space<vmem>>) dst(%dma_wait3A_264 : memref<512x64xbf16, #tpu.memory_space<hbm>>)
      tpu.yield
    }) : () -> ()
    %dma_start3A_88 = arith.constant 6 : i32
    %dma_start3A_89 = arith.constant 0 : i32
    %dma_start3A_90 = tpu.memref_slice %arg5[%dma_start3A_88, %dma_start3A_89] : memref<16x512xi32, #tpu.memory_space<vmem>> -> memref<1x512xi32, #tpu.memory_space<vmem>>
    %dma_start3A_91 = tpu.memref_squeeze %dma_start3A_90 : memref<1x512xi32, #tpu.memory_space<vmem>> -> memref<512xi32, #tpu.memory_space<vmem>>
    %dma_start3A_92 = arith.constant 0 : i32
    %dma_start3A_93 = arith.constant 0 : i32
    %dma_start3A_94 = tpu.memref_slice %arg2[%dma_start3A_92, %dma_start3A_93] : memref<16384x64xbf16, #tpu.memory_space<hbm>> -> memref<16384x64xbf16, #tpu.memory_space<hbm>>
    tpu.enqueue_indirect_dma source(%dma_start3A_94 : memref<16384x64xbf16, #tpu.memory_space<hbm>>) target(%arg6 : memref<512x64xbf16, #tpu.memory_space<vmem>>) offsets(%dma_start3A_91 : memref<512xi32, #tpu.memory_space<vmem>>) semaphore(%arg8 : memref<!tpu.dma_semaphore, #tpu.memory_space<semaphore_mem>>)
    %dma_wait3A_95 = arith.constant 5 : i32
    %dma_wait3A_96 = arith.constant 0 : i32
    %dma_wait3A_97 = tpu.memref_slice %arg5[%dma_wait3A_95, %dma_wait3A_96] : memref<16x512xi32, #tpu.memory_space<vmem>> -> memref<1x512xi32, #tpu.memory_space<vmem>>
    %dma_wait3A_98 = tpu.memref_squeeze %dma_wait3A_97 : memref<1x512xi32, #tpu.memory_space<vmem>> -> memref<512xi32, #tpu.memory_space<vmem>>
    %dma_wait3A_99 = arith.constant 0 : i32
    %dma_wait3A_100 = arith.constant 0 : i32
    %dma_wait3A_101 = tpu.memref_slice %arg2[%dma_wait3A_99, %dma_wait3A_100] : memref<16384x64xbf16, #tpu.memory_space<hbm>> -> memref<16384x64xbf16, #tpu.memory_space<hbm>>
    tpu.wait_indirect_dma semaphore(%arg9 : memref<!tpu.dma_semaphore, #tpu.memory_space<semaphore_mem>>) src(%dma_wait3A_101 : memref<16384x64xbf16, #tpu.memory_space<hbm>>) dst(%arg7 : memref<512x64xbf16, #tpu.memory_space<vmem>>)
    %add3A_102 = arith.constant 2560 : i32
    %add3A_103 = arith.addi %mul3A_2, %add3A_102 : i32
    "tpu.region"() ({
      %run_scoped3A = tpu.sem_alloc : memref<!tpu.dma_semaphore, #tpu.memory_space<semaphore_mem>>
      %dma_start3A_257 = arith.constant 0 : i32
      %dma_start3A_258 = tpu.memref_slice %arg4[%add3A_103, %dma_start3A_257] : memref<262144x64xbf16, #tpu.memory_space<hbm>> -> memref<512x64xbf16, #tpu.memory_space<hbm>>
      %dma_start3A_259 = arith.constant 0 : i32
      %dma_start3A_260 = tpu.memref_slice %arg4[%add3A_103, %dma_start3A_259] : memref<262144x64xbf16, #tpu.memory_space<hbm>> -> memref<512x64xbf16, #tpu.memory_space<hbm>>
      tpu.enqueue_dma source(%arg7 : memref<512x64xbf16, #tpu.memory_space<vmem>>) target(%dma_start3A_260 : memref<512x64xbf16, #tpu.memory_space<hbm>>) target_semaphore(%run_scoped3A : memref<!tpu.dma_semaphore, #tpu.memory_space<semaphore_mem>>)
      %dma_wait3A_261 = arith.constant 0 : i32
      %dma_wait3A_262 = tpu.memref_slice %arg4[%add3A_103, %dma_wait3A_261] : memref<262144x64xbf16, #tpu.memory_space<hbm>> -> memref<512x64xbf16, #tpu.memory_space<hbm>>
      %dma_wait3A_263 = arith.constant 0 : i32
      %dma_wait3A_264 = tpu.memref_slice %arg4[%add3A_103, %dma_wait3A_263] : memref<262144x64xbf16, #tpu.memory_space<hbm>> -> memref<512x64xbf16, #tpu.memory_space<hbm>>
      tpu.wait_dma2 semaphore(%run_scoped3A : memref<!tpu.dma_semaphore, #tpu.memory_space<semaphore_mem>>) src(%arg7 : memref<512x64xbf16, #tpu.memory_space<vmem>>) dst(%dma_wait3A_264 : memref<512x64xbf16, #tpu.memory_space<hbm>>)
      tpu.yield
    }) : () -> ()
    %dma_start3A_104 = arith.constant 7 : i32
    %dma_start3A_105 = arith.constant 0 : i32
    %dma_start3A_106 = tpu.memref_slice %arg5[%dma_start3A_104, %dma_start3A_105] : memref<16x512xi32, #tpu.memory_space<vmem>> -> memref<1x512xi32, #tpu.memory_space<vmem>>
    %dma_start3A_107 = tpu.memref_squeeze %dma_start3A_106 : memref<1x512xi32, #tpu.memory_space<vmem>> -> memref<512xi32, #tpu.memory_space<vmem>>
    %dma_start3A_108 = arith.constant 0 : i32
    %dma_start3A_109 = arith.constant 0 : i32
    %dma_start3A_110 = tpu.memref_slice %arg2[%dma_start3A_108, %dma_start3A_109] : memref<16384x64xbf16, #tpu.memory_space<hbm>> -> memref<16384x64xbf16, #tpu.memory_space<hbm>>
    tpu.enqueue_indirect_dma source(%dma_start3A_110 : memref<16384x64xbf16, #tpu.memory_space<hbm>>) target(%arg7 : memref<512x64xbf16, #tpu.memory_space<vmem>>) offsets(%dma_start3A_107 : memref<512xi32, #tpu.memory_space<vmem>>) semaphore(%arg9 : memref<!tpu.dma_semaphore, #tpu.memory_space<semaphore_mem>>)
    %dma_wait3A_111 = arith.constant 6 : i32
    %dma_wait3A_112 = arith.constant 0 : i32
    %dma_wait3A_113 = tpu.memref_slice %arg5[%dma_wait3A_111, %dma_wait3A_112] : memref<16x512xi32, #tpu.memory_space<vmem>> -> memref<1x512xi32, #tpu.memory_space<vmem>>
    %dma_wait3A_114 = tpu.memref_squeeze %dma_wait3A_113 : memref<1x512xi32, #tpu.memory_space<vmem>> -> memref<512xi32, #tpu.memory_space<vmem>>
    %dma_wait3A_115 = arith.constant 0 : i32
    %dma_wait3A_116 = arith.constant 0 : i32
    %dma_wait3A_117 = tpu.memref_slice %arg2[%dma_wait3A_115, %dma_wait3A_116] : memref<16384x64xbf16, #tpu.memory_space<hbm>> -> memref<16384x64xbf16, #tpu.memory_space<hbm>>
    tpu.wait_indirect_dma semaphore(%arg8 : memref<!tpu.dma_semaphore, #tpu.memory_space<semaphore_mem>>) src(%dma_wait3A_117 : memref<16384x64xbf16, #tpu.memory_space<hbm>>) dst(%arg6 : memref<512x64xbf16, #tpu.memory_space<vmem>>)
    %add3A_118 = arith.constant 3072 : i32
    %add3A_119 = arith.addi %mul3A_2, %add3A_118 : i32
    "tpu.region"() ({
      %run_scoped3A = tpu.sem_alloc : memref<!tpu.dma_semaphore, #tpu.memory_space<semaphore_mem>>
      %dma_start3A_257 = arith.constant 0 : i32
      %dma_start3A_258 = tpu.memref_slice %arg4[%add3A_119, %dma_start3A_257] : memref<262144x64xbf16, #tpu.memory_space<hbm>> -> memref<512x64xbf16, #tpu.memory_space<hbm>>
      %dma_start3A_259 = arith.constant 0 : i32
      %dma_start3A_260 = tpu.memref_slice %arg4[%add3A_119, %dma_start3A_259] : memref<262144x64xbf16, #tpu.memory_space<hbm>> -> memref<512x64xbf16, #tpu.memory_space<hbm>>
      tpu.enqueue_dma source(%arg6 : memref<512x64xbf16, #tpu.memory_space<vmem>>) target(%dma_start3A_260 : memref<512x64xbf16, #tpu.memory_space<hbm>>) target_semaphore(%run_scoped3A : memref<!tpu.dma_semaphore, #tpu.memory_space<semaphore_mem>>)
      %dma_wait3A_261 = arith.constant 0 : i32
      %dma_wait3A_262 = tpu.memref_slice %arg4[%add3A_119, %dma_wait3A_261] : memref<262144x64xbf16, #tpu.memory_space<hbm>> -> memref<512x64xbf16, #tpu.memory_space<hbm>>
      %dma_wait3A_263 = arith.constant 0 : i32
      %dma_wait3A_264 = tpu.memref_slice %arg4[%add3A_119, %dma_wait3A_263] : memref<262144x64xbf16, #tpu.memory_space<hbm>> -> memref<512x64xbf16, #tpu.memory_space<hbm>>
      tpu.wait_dma2 semaphore(%run_scoped3A : memref<!tpu.dma_semaphore, #tpu.memory_space<semaphore_mem>>) src(%arg6 : memref<512x64xbf16, #tpu.memory_space<vmem>>) dst(%dma_wait3A_264 : memref<512x64xbf16, #tpu.memory_space<hbm>>)
      tpu.yield
    }) : () -> ()
    %dma_start3A_120 = arith.constant 8 : i32
    %dma_start3A_121 = arith.constant 0 : i32
    %dma_start3A_122 = tpu.memref_slice %arg5[%dma_start3A_120, %dma_start3A_121] : memref<16x512xi32, #tpu.memory_space<vmem>> -> memref<1x512xi32, #tpu.memory_space<vmem>>
    %dma_start3A_123 = tpu.memref_squeeze %dma_start3A_122 : memref<1x512xi32, #tpu.memory_space<vmem>> -> memref<512xi32, #tpu.memory_space<vmem>>
    %dma_start3A_124 = arith.constant 0 : i32
    %dma_start3A_125 = arith.constant 0 : i32
    %dma_start3A_126 = tpu.memref_slice %arg2[%dma_start3A_124, %dma_start3A_125] : memref<16384x64xbf16, #tpu.memory_space<hbm>> -> memref<16384x64xbf16, #tpu.memory_space<hbm>>
    tpu.enqueue_indirect_dma source(%dma_start3A_126 : memref<16384x64xbf16, #tpu.memory_space<hbm>>) target(%arg6 : memref<512x64xbf16, #tpu.memory_space<vmem>>) offsets(%dma_start3A_123 : memref<512xi32, #tpu.memory_space<vmem>>) semaphore(%arg8 : memref<!tpu.dma_semaphore, #tpu.memory_space<semaphore_mem>>)
    %dma_wait3A_127 = arith.constant 7 : i32
    %dma_wait3A_128 = arith.constant 0 : i32
    %dma_wait3A_129 = tpu.memref_slice %arg5[%dma_wait3A_127, %dma_wait3A_128] : memref<16x512xi32, #tpu.memory_space<vmem>> -> memref<1x512xi32, #tpu.memory_space<vmem>>
    %dma_wait3A_130 = tpu.memref_squeeze %dma_wait3A_129 : memref<1x512xi32, #tpu.memory_space<vmem>> -> memref<512xi32, #tpu.memory_space<vmem>>
    %dma_wait3A_131 = arith.constant 0 : i32
    %dma_wait3A_132 = arith.constant 0 : i32
    %dma_wait3A_133 = tpu.memref_slice %arg2[%dma_wait3A_131, %dma_wait3A_132] : memref<16384x64xbf16, #tpu.memory_space<hbm>> -> memref<16384x64xbf16, #tpu.memory_space<hbm>>
    tpu.wait_indirect_dma semaphore(%arg9 : memref<!tpu.dma_semaphore, #tpu.memory_space<semaphore_mem>>) src(%dma_wait3A_133 : memref<16384x64xbf16, #tpu.memory_space<hbm>>) dst(%arg7 : memref<512x64xbf16, #tpu.memory_space<vmem>>)
    %add3A_134 = arith.constant 3584 : i32
    %add3A_135 = arith.addi %mul3A_2, %add3A_134 : i32
    "tpu.region"() ({
      %run_scoped3A = tpu.sem_alloc : memref<!tpu.dma_semaphore, #tpu.memory_space<semaphore_mem>>
      %dma_start3A_257 = arith.constant 0 : i32
      %dma_start3A_258 = tpu.memref_slice %arg4[%add3A_135, %dma_start3A_257] : memref<262144x64xbf16, #tpu.memory_space<hbm>> -> memref<512x64xbf16, #tpu.memory_space<hbm>>
      %dma_start3A_259 = arith.constant 0 : i32
      %dma_start3A_260 = tpu.memref_slice %arg4[%add3A_135, %dma_start3A_259] : memref<262144x64xbf16, #tpu.memory_space<hbm>> -> memref<512x64xbf16, #tpu.memory_space<hbm>>
      tpu.enqueue_dma source(%arg7 : memref<512x64xbf16, #tpu.memory_space<vmem>>) target(%dma_start3A_260 : memref<512x64xbf16, #tpu.memory_space<hbm>>) target_semaphore(%run_scoped3A : memref<!tpu.dma_semaphore, #tpu.memory_space<semaphore_mem>>)
      %dma_wait3A_261 = arith.constant 0 : i32
      %dma_wait3A_262 = tpu.memref_slice %arg4[%add3A_135, %dma_wait3A_261] : memref<262144x64xbf16, #tpu.memory_space<hbm>> -> memref<512x64xbf16, #tpu.memory_space<hbm>>
      %dma_wait3A_263 = arith.constant 0 : i32
      %dma_wait3A_264 = tpu.memref_slice %arg4[%add3A_135, %dma_wait3A_263] : memref<262144x64xbf16, #tpu.memory_space<hbm>> -> memref<512x64xbf16, #tpu.memory_space<hbm>>
      tpu.wait_dma2 semaphore(%run_scoped3A : memref<!tpu.dma_semaphore, #tpu.memory_space<semaphore_mem>>) src(%arg7 : memref<512x64xbf16, #tpu.memory_space<vmem>>) dst(%dma_wait3A_264 : memref<512x64xbf16, #tpu.memory_space<hbm>>)
      tpu.yield
    }) : () -> ()
    %dma_start3A_136 = arith.constant 9 : i32
    %dma_start3A_137 = arith.constant 0 : i32
    %dma_start3A_138 = tpu.memref_slice %arg5[%dma_start3A_136, %dma_start3A_137] : memref<16x512xi32, #tpu.memory_space<vmem>> -> memref<1x512xi32, #tpu.memory_space<vmem>>
    %dma_start3A_139 = tpu.memref_squeeze %dma_start3A_138 : memref<1x512xi32, #tpu.memory_space<vmem>> -> memref<512xi32, #tpu.memory_space<vmem>>
    %dma_start3A_140 = arith.constant 0 : i32
    %dma_start3A_141 = arith.constant 0 : i32
    %dma_start3A_142 = tpu.memref_slice %arg2[%dma_start3A_140, %dma_start3A_141] : memref<16384x64xbf16, #tpu.memory_space<hbm>> -> memref<16384x64xbf16, #tpu.memory_space<hbm>>
    tpu.enqueue_indirect_dma source(%dma_start3A_142 : memref<16384x64xbf16, #tpu.memory_space<hbm>>) target(%arg7 : memref<512x64xbf16, #tpu.memory_space<vmem>>) offsets(%dma_start3A_139 : memref<512xi32, #tpu.memory_space<vmem>>) semaphore(%arg9 : memref<!tpu.dma_semaphore, #tpu.memory_space<semaphore_mem>>)
    %dma_wait3A_143 = arith.constant 8 : i32
    %dma_wait3A_144 = arith.constant 0 : i32
    %dma_wait3A_145 = tpu.memref_slice %arg5[%dma_wait3A_143, %dma_wait3A_144] : memref<16x512xi32, #tpu.memory_space<vmem>> -> memref<1x512xi32, #tpu.memory_space<vmem>>
    %dma_wait3A_146 = tpu.memref_squeeze %dma_wait3A_145 : memref<1x512xi32, #tpu.memory_space<vmem>> -> memref<512xi32, #tpu.memory_space<vmem>>
    %dma_wait3A_147 = arith.constant 0 : i32
    %dma_wait3A_148 = arith.constant 0 : i32
    %dma_wait3A_149 = tpu.memref_slice %arg2[%dma_wait3A_147, %dma_wait3A_148] : memref<16384x64xbf16, #tpu.memory_space<hbm>> -> memref<16384x64xbf16, #tpu.memory_space<hbm>>
    tpu.wait_indirect_dma semaphore(%arg8 : memref<!tpu.dma_semaphore, #tpu.memory_space<semaphore_mem>>) src(%dma_wait3A_149 : memref<16384x64xbf16, #tpu.memory_space<hbm>>) dst(%arg6 : memref<512x64xbf16, #tpu.memory_space<vmem>>)
    %add3A_150 = arith.constant 4096 : i32
    %add3A_151 = arith.addi %mul3A_2, %add3A_150 : i32
    "tpu.region"() ({
      %run_scoped3A = tpu.sem_alloc : memref<!tpu.dma_semaphore, #tpu.memory_space<semaphore_mem>>
      %dma_start3A_257 = arith.constant 0 : i32
      %dma_start3A_258 = tpu.memref_slice %arg4[%add3A_151, %dma_start3A_257] : memref<262144x64xbf16, #tpu.memory_space<hbm>> -> memref<512x64xbf16, #tpu.memory_space<hbm>>
      %dma_start3A_259 = arith.constant 0 : i32
      %dma_start3A_260 = tpu.memref_slice %arg4[%add3A_151, %dma_start3A_259] : memref<262144x64xbf16, #tpu.memory_space<hbm>> -> memref<512x64xbf16, #tpu.memory_space<hbm>>
      tpu.enqueue_dma source(%arg6 : memref<512x64xbf16, #tpu.memory_space<vmem>>) target(%dma_start3A_260 : memref<512x64xbf16, #tpu.memory_space<hbm>>) target_semaphore(%run_scoped3A : memref<!tpu.dma_semaphore, #tpu.memory_space<semaphore_mem>>)
      %dma_wait3A_261 = arith.constant 0 : i32
      %dma_wait3A_262 = tpu.memref_slice %arg4[%add3A_151, %dma_wait3A_261] : memref<262144x64xbf16, #tpu.memory_space<hbm>> -> memref<512x64xbf16, #tpu.memory_space<hbm>>
      %dma_wait3A_263 = arith.constant 0 : i32
      %dma_wait3A_264 = tpu.memref_slice %arg4[%add3A_151, %dma_wait3A_263] : memref<262144x64xbf16, #tpu.memory_space<hbm>> -> memref<512x64xbf16, #tpu.memory_space<hbm>>
      tpu.wait_dma2 semaphore(%run_scoped3A : memref<!tpu.dma_semaphore, #tpu.memory_space<semaphore_mem>>) src(%arg6 : memref<512x64xbf16, #tpu.memory_space<vmem>>) dst(%dma_wait3A_264 : memref<512x64xbf16, #tpu.memory_space<hbm>>)
      tpu.yield
    }) : () -> ()
    %dma_start3A_152 = arith.constant 10 : i32
    %dma_start3A_153 = arith.constant 0 : i32
    %dma_start3A_154 = tpu.memref_slice %arg5[%dma_start3A_152, %dma_start3A_153] : memref<16x512xi32, #tpu.memory_space<vmem>> -> memref<1x512xi32, #tpu.memory_space<vmem>>
    %dma_start3A_155 = tpu.memref_squeeze %dma_start3A_154 : memref<1x512xi32, #tpu.memory_space<vmem>> -> memref<512xi32, #tpu.memory_space<vmem>>
    %dma_start3A_156 = arith.constant 0 : i32
    %dma_start3A_157 = arith.constant 0 : i32
    %dma_start3A_158 = tpu.memref_slice %arg2[%dma_start3A_156, %dma_start3A_157] : memref<16384x64xbf16, #tpu.memory_space<hbm>> -> memref<16384x64xbf16, #tpu.memory_space<hbm>>
    tpu.enqueue_indirect_dma source(%dma_start3A_158 : memref<16384x64xbf16, #tpu.memory_space<hbm>>) target(%arg6 : memref<512x64xbf16, #tpu.memory_space<vmem>>) offsets(%dma_start3A_155 : memref<512xi32, #tpu.memory_space<vmem>>) semaphore(%arg8 : memref<!tpu.dma_semaphore, #tpu.memory_space<semaphore_mem>>)
    %dma_wait3A_159 = arith.constant 9 : i32
    %dma_wait3A_160 = arith.constant 0 : i32
    %dma_wait3A_161 = tpu.memref_slice %arg5[%dma_wait3A_159, %dma_wait3A_160] : memref<16x512xi32, #tpu.memory_space<vmem>> -> memref<1x512xi32, #tpu.memory_space<vmem>>
    %dma_wait3A_162 = tpu.memref_squeeze %dma_wait3A_161 : memref<1x512xi32, #tpu.memory_space<vmem>> -> memref<512xi32, #tpu.memory_space<vmem>>
    %dma_wait3A_163 = arith.constant 0 : i32
    %dma_wait3A_164 = arith.constant 0 : i32
    %dma_wait3A_165 = tpu.memref_slice %arg2[%dma_wait3A_163, %dma_wait3A_164] : memref<16384x64xbf16, #tpu.memory_space<hbm>> -> memref<16384x64xbf16, #tpu.memory_space<hbm>>
    tpu.wait_indirect_dma semaphore(%arg9 : memref<!tpu.dma_semaphore, #tpu.memory_space<semaphore_mem>>) src(%dma_wait3A_165 : memref<16384x64xbf16, #tpu.memory_space<hbm>>) dst(%arg7 : memref<512x64xbf16, #tpu.memory_space<vmem>>)
    %add3A_166 = arith.constant 4608 : i32
    %add3A_167 = arith.addi %mul3A_2, %add3A_166 : i32
    "tpu.region"() ({
      %run_scoped3A = tpu.sem_alloc : memref<!tpu.dma_semaphore, #tpu.memory_space<semaphore_mem>>
      %dma_start3A_257 = arith.constant 0 : i32
      %dma_start3A_258 = tpu.memref_slice %arg4[%add3A_167, %dma_start3A_257] : memref<262144x64xbf16, #tpu.memory_space<hbm>> -> memref<512x64xbf16, #tpu.memory_space<hbm>>
      %dma_start3A_259 = arith.constant 0 : i32
      %dma_start3A_260 = tpu.memref_slice %arg4[%add3A_167, %dma_start3A_259] : memref<262144x64xbf16, #tpu.memory_space<hbm>> -> memref<512x64xbf16, #tpu.memory_space<hbm>>
      tpu.enqueue_dma source(%arg7 : memref<512x64xbf16, #tpu.memory_space<vmem>>) target(%dma_start3A_260 : memref<512x64xbf16, #tpu.memory_space<hbm>>) target_semaphore(%run_scoped3A : memref<!tpu.dma_semaphore, #tpu.memory_space<semaphore_mem>>)
      %dma_wait3A_261 = arith.constant 0 : i32
      %dma_wait3A_262 = tpu.memref_slice %arg4[%add3A_167, %dma_wait3A_261] : memref<262144x64xbf16, #tpu.memory_space<hbm>> -> memref<512x64xbf16, #tpu.memory_space<hbm>>
      %dma_wait3A_263 = arith.constant 0 : i32
      %dma_wait3A_264 = tpu.memref_slice %arg4[%add3A_167, %dma_wait3A_263] : memref<262144x64xbf16, #tpu.memory_space<hbm>> -> memref<512x64xbf16, #tpu.memory_space<hbm>>
      tpu.wait_dma2 semaphore(%run_scoped3A : memref<!tpu.dma_semaphore, #tpu.memory_space<semaphore_mem>>) src(%arg7 : memref<512x64xbf16, #tpu.memory_space<vmem>>) dst(%dma_wait3A_264 : memref<512x64xbf16, #tpu.memory_space<hbm>>)
      tpu.yield
    }) : () -> ()
    %dma_start3A_168 = arith.constant 11 : i32
    %dma_start3A_169 = arith.constant 0 : i32
    %dma_start3A_170 = tpu.memref_slice %arg5[%dma_start3A_168, %dma_start3A_169] : memref<16x512xi32, #tpu.memory_space<vmem>> -> memref<1x512xi32, #tpu.memory_space<vmem>>
    %dma_start3A_171 = tpu.memref_squeeze %dma_start3A_170 : memref<1x512xi32, #tpu.memory_space<vmem>> -> memref<512xi32, #tpu.memory_space<vmem>>
    %dma_start3A_172 = arith.constant 0 : i32
    %dma_start3A_173 = arith.constant 0 : i32
    %dma_start3A_174 = tpu.memref_slice %arg2[%dma_start3A_172, %dma_start3A_173] : memref<16384x64xbf16, #tpu.memory_space<hbm>> -> memref<16384x64xbf16, #tpu.memory_space<hbm>>
    tpu.enqueue_indirect_dma source(%dma_start3A_174 : memref<16384x64xbf16, #tpu.memory_space<hbm>>) target(%arg7 : memref<512x64xbf16, #tpu.memory_space<vmem>>) offsets(%dma_start3A_171 : memref<512xi32, #tpu.memory_space<vmem>>) semaphore(%arg9 : memref<!tpu.dma_semaphore, #tpu.memory_space<semaphore_mem>>)
    %dma_wait3A_175 = arith.constant 10 : i32
    %dma_wait3A_176 = arith.constant 0 : i32
    %dma_wait3A_177 = tpu.memref_slice %arg5[%dma_wait3A_175, %dma_wait3A_176] : memref<16x512xi32, #tpu.memory_space<vmem>> -> memref<1x512xi32, #tpu.memory_space<vmem>>
    %dma_wait3A_178 = tpu.memref_squeeze %dma_wait3A_177 : memref<1x512xi32, #tpu.memory_space<vmem>> -> memref<512xi32, #tpu.memory_space<vmem>>
    %dma_wait3A_179 = arith.constant 0 : i32
    %dma_wait3A_180 = arith.constant 0 : i32
    %dma_wait3A_181 = tpu.memref_slice %arg2[%dma_wait3A_179, %dma_wait3A_180] : memref<16384x64xbf16, #tpu.memory_space<hbm>> -> memref<16384x64xbf16, #tpu.memory_space<hbm>>
    tpu.wait_indirect_dma semaphore(%arg8 : memref<!tpu.dma_semaphore, #tpu.memory_space<semaphore_mem>>) src(%dma_wait3A_181 : memref<16384x64xbf16, #tpu.memory_space<hbm>>) dst(%arg6 : memref<512x64xbf16, #tpu.memory_space<vmem>>)
    %add3A_182 = arith.constant 5120 : i32
    %add3A_183 = arith.addi %mul3A_2, %add3A_182 : i32
    "tpu.region"() ({
      %run_scoped3A = tpu.sem_alloc : memref<!tpu.dma_semaphore, #tpu.memory_space<semaphore_mem>>
      %dma_start3A_257 = arith.constant 0 : i32
      %dma_start3A_258 = tpu.memref_slice %arg4[%add3A_183, %dma_start3A_257] : memref<262144x64xbf16, #tpu.memory_space<hbm>> -> memref<512x64xbf16, #tpu.memory_space<hbm>>
      %dma_start3A_259 = arith.constant 0 : i32
      %dma_start3A_260 = tpu.memref_slice %arg4[%add3A_183, %dma_start3A_259] : memref<262144x64xbf16, #tpu.memory_space<hbm>> -> memref<512x64xbf16, #tpu.memory_space<hbm>>
      tpu.enqueue_dma source(%arg6 : memref<512x64xbf16, #tpu.memory_space<vmem>>) target(%dma_start3A_260 : memref<512x64xbf16, #tpu.memory_space<hbm>>) target_semaphore(%run_scoped3A : memref<!tpu.dma_semaphore, #tpu.memory_space<semaphore_mem>>)
      %dma_wait3A_261 = arith.constant 0 : i32
      %dma_wait3A_262 = tpu.memref_slice %arg4[%add3A_183, %dma_wait3A_261] : memref<262144x64xbf16, #tpu.memory_space<hbm>> -> memref<512x64xbf16, #tpu.memory_space<hbm>>
      %dma_wait3A_263 = arith.constant 0 : i32
      %dma_wait3A_264 = tpu.memref_slice %arg4[%add3A_183, %dma_wait3A_263] : memref<262144x64xbf16, #tpu.memory_space<hbm>> -> memref<512x64xbf16, #tpu.memory_space<hbm>>
      tpu.wait_dma2 semaphore(%run_scoped3A : memref<!tpu.dma_semaphore, #tpu.memory_space<semaphore_mem>>) src(%arg6 : memref<512x64xbf16, #tpu.memory_space<vmem>>) dst(%dma_wait3A_264 : memref<512x64xbf16, #tpu.memory_space<hbm>>)
      tpu.yield
    }) : () -> ()
    %dma_start3A_184 = arith.constant 12 : i32
    %dma_start3A_185 = arith.constant 0 : i32
    %dma_start3A_186 = tpu.memref_slice %arg5[%dma_start3A_184, %dma_start3A_185] : memref<16x512xi32, #tpu.memory_space<vmem>> -> memref<1x512xi32, #tpu.memory_space<vmem>>
    %dma_start3A_187 = tpu.memref_squeeze %dma_start3A_186 : memref<1x512xi32, #tpu.memory_space<vmem>> -> memref<512xi32, #tpu.memory_space<vmem>>
    %dma_start3A_188 = arith.constant 0 : i32
    %dma_start3A_189 = arith.constant 0 : i32
    %dma_start3A_190 = tpu.memref_slice %arg2[%dma_start3A_188, %dma_start3A_189] : memref<16384x64xbf16, #tpu.memory_space<hbm>> -> memref<16384x64xbf16, #tpu.memory_space<hbm>>
    tpu.enqueue_indirect_dma source(%dma_start3A_190 : memref<16384x64xbf16, #tpu.memory_space<hbm>>) target(%arg6 : memref<512x64xbf16, #tpu.memory_space<vmem>>) offsets(%dma_start3A_187 : memref<512xi32, #tpu.memory_space<vmem>>) semaphore(%arg8 : memref<!tpu.dma_semaphore, #tpu.memory_space<semaphore_mem>>)
    %dma_wait3A_191 = arith.constant 11 : i32
    %dma_wait3A_192 = arith.constant 0 : i32
    %dma_wait3A_193 = tpu.memref_slice %arg5[%dma_wait3A_191, %dma_wait3A_192] : memref<16x512xi32, #tpu.memory_space<vmem>> -> memref<1x512xi32, #tpu.memory_space<vmem>>
    %dma_wait3A_194 = tpu.memref_squeeze %dma_wait3A_193 : memref<1x512xi32, #tpu.memory_space<vmem>> -> memref<512xi32, #tpu.memory_space<vmem>>
    %dma_wait3A_195 = arith.constant 0 : i32
    %dma_wait3A_196 = arith.constant 0 : i32
    %dma_wait3A_197 = tpu.memref_slice %arg2[%dma_wait3A_195, %dma_wait3A_196] : memref<16384x64xbf16, #tpu.memory_space<hbm>> -> memref<16384x64xbf16, #tpu.memory_space<hbm>>
    tpu.wait_indirect_dma semaphore(%arg9 : memref<!tpu.dma_semaphore, #tpu.memory_space<semaphore_mem>>) src(%dma_wait3A_197 : memref<16384x64xbf16, #tpu.memory_space<hbm>>) dst(%arg7 : memref<512x64xbf16, #tpu.memory_space<vmem>>)
    %add3A_198 = arith.constant 5632 : i32
    %add3A_199 = arith.addi %mul3A_2, %add3A_198 : i32
    "tpu.region"() ({
      %run_scoped3A = tpu.sem_alloc : memref<!tpu.dma_semaphore, #tpu.memory_space<semaphore_mem>>
      %dma_start3A_257 = arith.constant 0 : i32
      %dma_start3A_258 = tpu.memref_slice %arg4[%add3A_199, %dma_start3A_257] : memref<262144x64xbf16, #tpu.memory_space<hbm>> -> memref<512x64xbf16, #tpu.memory_space<hbm>>
      %dma_start3A_259 = arith.constant 0 : i32
      %dma_start3A_260 = tpu.memref_slice %arg4[%add3A_199, %dma_start3A_259] : memref<262144x64xbf16, #tpu.memory_space<hbm>> -> memref<512x64xbf16, #tpu.memory_space<hbm>>
      tpu.enqueue_dma source(%arg7 : memref<512x64xbf16, #tpu.memory_space<vmem>>) target(%dma_start3A_260 : memref<512x64xbf16, #tpu.memory_space<hbm>>) target_semaphore(%run_scoped3A : memref<!tpu.dma_semaphore, #tpu.memory_space<semaphore_mem>>)
      %dma_wait3A_261 = arith.constant 0 : i32
      %dma_wait3A_262 = tpu.memref_slice %arg4[%add3A_199, %dma_wait3A_261] : memref<262144x64xbf16, #tpu.memory_space<hbm>> -> memref<512x64xbf16, #tpu.memory_space<hbm>>
      %dma_wait3A_263 = arith.constant 0 : i32
      %dma_wait3A_264 = tpu.memref_slice %arg4[%add3A_199, %dma_wait3A_263] : memref<262144x64xbf16, #tpu.memory_space<hbm>> -> memref<512x64xbf16, #tpu.memory_space<hbm>>
      tpu.wait_dma2 semaphore(%run_scoped3A : memref<!tpu.dma_semaphore, #tpu.memory_space<semaphore_mem>>) src(%arg7 : memref<512x64xbf16, #tpu.memory_space<vmem>>) dst(%dma_wait3A_264 : memref<512x64xbf16, #tpu.memory_space<hbm>>)
      tpu.yield
    }) : () -> ()
    %dma_start3A_200 = arith.constant 13 : i32
    %dma_start3A_201 = arith.constant 0 : i32
    %dma_start3A_202 = tpu.memref_slice %arg5[%dma_start3A_200, %dma_start3A_201] : memref<16x512xi32, #tpu.memory_space<vmem>> -> memref<1x512xi32, #tpu.memory_space<vmem>>
    %dma_start3A_203 = tpu.memref_squeeze %dma_start3A_202 : memref<1x512xi32, #tpu.memory_space<vmem>> -> memref<512xi32, #tpu.memory_space<vmem>>
    %dma_start3A_204 = arith.constant 0 : i32
    %dma_start3A_205 = arith.constant 0 : i32
    %dma_start3A_206 = tpu.memref_slice %arg2[%dma_start3A_204, %dma_start3A_205] : memref<16384x64xbf16, #tpu.memory_space<hbm>> -> memref<16384x64xbf16, #tpu.memory_space<hbm>>
    tpu.enqueue_indirect_dma source(%dma_start3A_206 : memref<16384x64xbf16, #tpu.memory_space<hbm>>) target(%arg7 : memref<512x64xbf16, #tpu.memory_space<vmem>>) offsets(%dma_start3A_203 : memref<512xi32, #tpu.memory_space<vmem>>) semaphore(%arg9 : memref<!tpu.dma_semaphore, #tpu.memory_space<semaphore_mem>>)
    %dma_wait3A_207 = arith.constant 12 : i32
    %dma_wait3A_208 = arith.constant 0 : i32
    %dma_wait3A_209 = tpu.memref_slice %arg5[%dma_wait3A_207, %dma_wait3A_208] : memref<16x512xi32, #tpu.memory_space<vmem>> -> memref<1x512xi32, #tpu.memory_space<vmem>>
    %dma_wait3A_210 = tpu.memref_squeeze %dma_wait3A_209 : memref<1x512xi32, #tpu.memory_space<vmem>> -> memref<512xi32, #tpu.memory_space<vmem>>
    %dma_wait3A_211 = arith.constant 0 : i32
    %dma_wait3A_212 = arith.constant 0 : i32
    %dma_wait3A_213 = tpu.memref_slice %arg2[%dma_wait3A_211, %dma_wait3A_212] : memref<16384x64xbf16, #tpu.memory_space<hbm>> -> memref<16384x64xbf16, #tpu.memory_space<hbm>>
    tpu.wait_indirect_dma semaphore(%arg8 : memref<!tpu.dma_semaphore, #tpu.memory_space<semaphore_mem>>) src(%dma_wait3A_213 : memref<16384x64xbf16, #tpu.memory_space<hbm>>) dst(%arg6 : memref<512x64xbf16, #tpu.memory_space<vmem>>)
    %add3A_214 = arith.constant 6144 : i32
    %add3A_215 = arith.addi %mul3A_2, %add3A_214 : i32
    "tpu.region"() ({
      %run_scoped3A = tpu.sem_alloc : memref<!tpu.dma_semaphore, #tpu.memory_space<semaphore_mem>>
      %dma_start3A_257 = arith.constant 0 : i32
      %dma_start3A_258 = tpu.memref_slice %arg4[%add3A_215, %dma_start3A_257] : memref<262144x64xbf16, #tpu.memory_space<hbm>> -> memref<512x64xbf16, #tpu.memory_space<hbm>>
      %dma_start3A_259 = arith.constant 0 : i32
      %dma_start3A_260 = tpu.memref_slice %arg4[%add3A_215, %dma_start3A_259] : memref<262144x64xbf16, #tpu.memory_space<hbm>> -> memref<512x64xbf16, #tpu.memory_space<hbm>>
      tpu.enqueue_dma source(%arg6 : memref<512x64xbf16, #tpu.memory_space<vmem>>) target(%dma_start3A_260 : memref<512x64xbf16, #tpu.memory_space<hbm>>) target_semaphore(%run_scoped3A : memref<!tpu.dma_semaphore, #tpu.memory_space<semaphore_mem>>)
      %dma_wait3A_261 = arith.constant 0 : i32
      %dma_wait3A_262 = tpu.memref_slice %arg4[%add3A_215, %dma_wait3A_261] : memref<262144x64xbf16, #tpu.memory_space<hbm>> -> memref<512x64xbf16, #tpu.memory_space<hbm>>
      %dma_wait3A_263 = arith.constant 0 : i32
      %dma_wait3A_264 = tpu.memref_slice %arg4[%add3A_215, %dma_wait3A_263] : memref<262144x64xbf16, #tpu.memory_space<hbm>> -> memref<512x64xbf16, #tpu.memory_space<hbm>>
      tpu.wait_dma2 semaphore(%run_scoped3A : memref<!tpu.dma_semaphore, #tpu.memory_space<semaphore_mem>>) src(%arg6 : memref<512x64xbf16, #tpu.memory_space<vmem>>) dst(%dma_wait3A_264 : memref<512x64xbf16, #tpu.memory_space<hbm>>)
      tpu.yield
    }) : () -> ()
    %dma_start3A_216 = arith.constant 14 : i32
    %dma_start3A_217 = arith.constant 0 : i32
    %dma_start3A_218 = tpu.memref_slice %arg5[%dma_start3A_216, %dma_start3A_217] : memref<16x512xi32, #tpu.memory_space<vmem>> -> memref<1x512xi32, #tpu.memory_space<vmem>>
    %dma_start3A_219 = tpu.memref_squeeze %dma_start3A_218 : memref<1x512xi32, #tpu.memory_space<vmem>> -> memref<512xi32, #tpu.memory_space<vmem>>
    %dma_start3A_220 = arith.constant 0 : i32
    %dma_start3A_221 = arith.constant 0 : i32
    %dma_start3A_222 = tpu.memref_slice %arg2[%dma_start3A_220, %dma_start3A_221] : memref<16384x64xbf16, #tpu.memory_space<hbm>> -> memref<16384x64xbf16, #tpu.memory_space<hbm>>
    tpu.enqueue_indirect_dma source(%dma_start3A_222 : memref<16384x64xbf16, #tpu.memory_space<hbm>>) target(%arg6 : memref<512x64xbf16, #tpu.memory_space<vmem>>) offsets(%dma_start3A_219 : memref<512xi32, #tpu.memory_space<vmem>>) semaphore(%arg8 : memref<!tpu.dma_semaphore, #tpu.memory_space<semaphore_mem>>)
    %dma_wait3A_223 = arith.constant 13 : i32
    %dma_wait3A_224 = arith.constant 0 : i32
    %dma_wait3A_225 = tpu.memref_slice %arg5[%dma_wait3A_223, %dma_wait3A_224] : memref<16x512xi32, #tpu.memory_space<vmem>> -> memref<1x512xi32, #tpu.memory_space<vmem>>
    %dma_wait3A_226 = tpu.memref_squeeze %dma_wait3A_225 : memref<1x512xi32, #tpu.memory_space<vmem>> -> memref<512xi32, #tpu.memory_space<vmem>>
    %dma_wait3A_227 = arith.constant 0 : i32
    %dma_wait3A_228 = arith.constant 0 : i32
    %dma_wait3A_229 = tpu.memref_slice %arg2[%dma_wait3A_227, %dma_wait3A_228] : memref<16384x64xbf16, #tpu.memory_space<hbm>> -> memref<16384x64xbf16, #tpu.memory_space<hbm>>
    tpu.wait_indirect_dma semaphore(%arg9 : memref<!tpu.dma_semaphore, #tpu.memory_space<semaphore_mem>>) src(%dma_wait3A_229 : memref<16384x64xbf16, #tpu.memory_space<hbm>>) dst(%arg7 : memref<512x64xbf16, #tpu.memory_space<vmem>>)
    %add3A_230 = arith.constant 6656 : i32
    %add3A_231 = arith.addi %mul3A_2, %add3A_230 : i32
    "tpu.region"() ({
      %run_scoped3A = tpu.sem_alloc : memref<!tpu.dma_semaphore, #tpu.memory_space<semaphore_mem>>
      %dma_start3A_257 = arith.constant 0 : i32
      %dma_start3A_258 = tpu.memref_slice %arg4[%add3A_231, %dma_start3A_257] : memref<262144x64xbf16, #tpu.memory_space<hbm>> -> memref<512x64xbf16, #tpu.memory_space<hbm>>
      %dma_start3A_259 = arith.constant 0 : i32
      %dma_start3A_260 = tpu.memref_slice %arg4[%add3A_231, %dma_start3A_259] : memref<262144x64xbf16, #tpu.memory_space<hbm>> -> memref<512x64xbf16, #tpu.memory_space<hbm>>
      tpu.enqueue_dma source(%arg7 : memref<512x64xbf16, #tpu.memory_space<vmem>>) target(%dma_start3A_260 : memref<512x64xbf16, #tpu.memory_space<hbm>>) target_semaphore(%run_scoped3A : memref<!tpu.dma_semaphore, #tpu.memory_space<semaphore_mem>>)
      %dma_wait3A_261 = arith.constant 0 : i32
      %dma_wait3A_262 = tpu.memref_slice %arg4[%add3A_231, %dma_wait3A_261] : memref<262144x64xbf16, #tpu.memory_space<hbm>> -> memref<512x64xbf16, #tpu.memory_space<hbm>>
      %dma_wait3A_263 = arith.constant 0 : i32
      %dma_wait3A_264 = tpu.memref_slice %arg4[%add3A_231, %dma_wait3A_263] : memref<262144x64xbf16, #tpu.memory_space<hbm>> -> memref<512x64xbf16, #tpu.memory_space<hbm>>
      tpu.wait_dma2 semaphore(%run_scoped3A : memref<!tpu.dma_semaphore, #tpu.memory_space<semaphore_mem>>) src(%arg7 : memref<512x64xbf16, #tpu.memory_space<vmem>>) dst(%dma_wait3A_264 : memref<512x64xbf16, #tpu.memory_space<hbm>>)
      tpu.yield
    }) : () -> ()
    %dma_start3A_232 = arith.constant 15 : i32
    %dma_start3A_233 = arith.constant 0 : i32
    %dma_start3A_234 = tpu.memref_slice %arg5[%dma_start3A_232, %dma_start3A_233] : memref<16x512xi32, #tpu.memory_space<vmem>> -> memref<1x512xi32, #tpu.memory_space<vmem>>
    %dma_start3A_235 = tpu.memref_squeeze %dma_start3A_234 : memref<1x512xi32, #tpu.memory_space<vmem>> -> memref<512xi32, #tpu.memory_space<vmem>>
    %dma_start3A_236 = arith.constant 0 : i32
    %dma_start3A_237 = arith.constant 0 : i32
    %dma_start3A_238 = tpu.memref_slice %arg2[%dma_start3A_236, %dma_start3A_237] : memref<16384x64xbf16, #tpu.memory_space<hbm>> -> memref<16384x64xbf16, #tpu.memory_space<hbm>>
    tpu.enqueue_indirect_dma source(%dma_start3A_238 : memref<16384x64xbf16, #tpu.memory_space<hbm>>) target(%arg7 : memref<512x64xbf16, #tpu.memory_space<vmem>>) offsets(%dma_start3A_235 : memref<512xi32, #tpu.memory_space<vmem>>) semaphore(%arg9 : memref<!tpu.dma_semaphore, #tpu.memory_space<semaphore_mem>>)
    %dma_wait3A_239 = arith.constant 14 : i32
    %dma_wait3A_240 = arith.constant 0 : i32
    %dma_wait3A_241 = tpu.memref_slice %arg5[%dma_wait3A_239, %dma_wait3A_240] : memref<16x512xi32, #tpu.memory_space<vmem>> -> memref<1x512xi32, #tpu.memory_space<vmem>>
    %dma_wait3A_242 = tpu.memref_squeeze %dma_wait3A_241 : memref<1x512xi32, #tpu.memory_space<vmem>> -> memref<512xi32, #tpu.memory_space<vmem>>
    %dma_wait3A_243 = arith.constant 0 : i32
    %dma_wait3A_244 = arith.constant 0 : i32
    %dma_wait3A_245 = tpu.memref_slice %arg2[%dma_wait3A_243, %dma_wait3A_244] : memref<16384x64xbf16, #tpu.memory_space<hbm>> -> memref<16384x64xbf16, #tpu.memory_space<hbm>>
    tpu.wait_indirect_dma semaphore(%arg8 : memref<!tpu.dma_semaphore, #tpu.memory_space<semaphore_mem>>) src(%dma_wait3A_245 : memref<16384x64xbf16, #tpu.memory_space<hbm>>) dst(%arg6 : memref<512x64xbf16, #tpu.memory_space<vmem>>)
    %add3A_246 = arith.constant 7168 : i32
    %add3A_247 = arith.addi %mul3A_2, %add3A_246 : i32
    "tpu.region"() ({
      %run_scoped3A = tpu.sem_alloc : memref<!tpu.dma_semaphore, #tpu.memory_space<semaphore_mem>>
      %dma_start3A_257 = arith.constant 0 : i32
      %dma_start3A_258 = tpu.memref_slice %arg4[%add3A_247, %dma_start3A_257] : memref<262144x64xbf16, #tpu.memory_space<hbm>> -> memref<512x64xbf16, #tpu.memory_space<hbm>>
      %dma_start3A_259 = arith.constant 0 : i32
      %dma_start3A_260 = tpu.memref_slice %arg4[%add3A_247, %dma_start3A_259] : memref<262144x64xbf16, #tpu.memory_space<hbm>> -> memref<512x64xbf16, #tpu.memory_space<hbm>>
      tpu.enqueue_dma source(%arg6 : memref<512x64xbf16, #tpu.memory_space<vmem>>) target(%dma_start3A_260 : memref<512x64xbf16, #tpu.memory_space<hbm>>) target_semaphore(%run_scoped3A : memref<!tpu.dma_semaphore, #tpu.memory_space<semaphore_mem>>)
      %dma_wait3A_261 = arith.constant 0 : i32
      %dma_wait3A_262 = tpu.memref_slice %arg4[%add3A_247, %dma_wait3A_261] : memref<262144x64xbf16, #tpu.memory_space<hbm>> -> memref<512x64xbf16, #tpu.memory_space<hbm>>
      %dma_wait3A_263 = arith.constant 0 : i32
      %dma_wait3A_264 = tpu.memref_slice %arg4[%add3A_247, %dma_wait3A_263] : memref<262144x64xbf16, #tpu.memory_space<hbm>> -> memref<512x64xbf16, #tpu.memory_space<hbm>>
      tpu.wait_dma2 semaphore(%run_scoped3A : memref<!tpu.dma_semaphore, #tpu.memory_space<semaphore_mem>>) src(%arg6 : memref<512x64xbf16, #tpu.memory_space<vmem>>) dst(%dma_wait3A_264 : memref<512x64xbf16, #tpu.memory_space<hbm>>)
      tpu.yield
    }) : () -> ()
    %dma_wait3A_248 = arith.constant 15 : i32
    %dma_wait3A_249 = arith.constant 0 : i32
    %dma_wait3A_250 = tpu.memref_slice %arg5[%dma_wait3A_248, %dma_wait3A_249] : memref<16x512xi32, #tpu.memory_space<vmem>> -> memref<1x512xi32, #tpu.memory_space<vmem>>
    %dma_wait3A_251 = tpu.memref_squeeze %dma_wait3A_250 : memref<1x512xi32, #tpu.memory_space<vmem>> -> memref<512xi32, #tpu.memory_space<vmem>>
    %dma_wait3A_252 = arith.constant 0 : i32
    %dma_wait3A_253 = arith.constant 0 : i32
    %dma_wait3A_254 = tpu.memref_slice %arg2[%dma_wait3A_252, %dma_wait3A_253] : memref<16384x64xbf16, #tpu.memory_space<hbm>> -> memref<16384x64xbf16, #tpu.memory_space<hbm>>
    tpu.wait_indirect_dma semaphore(%arg9 : memref<!tpu.dma_semaphore, #tpu.memory_space<semaphore_mem>>) src(%dma_wait3A_254 : memref<16384x64xbf16, #tpu.memory_space<hbm>>) dst(%arg7 : memref<512x64xbf16, #tpu.memory_space<vmem>>)
    %add3A_255 = arith.constant 7680 : i32
    %add3A_256 = arith.addi %mul3A_2, %add3A_255 : i32
    "tpu.region"() ({
      %run_scoped3A = tpu.sem_alloc : memref<!tpu.dma_semaphore, #tpu.memory_space<semaphore_mem>>
      %dma_start3A_257 = arith.constant 0 : i32
      %dma_start3A_258 = tpu.memref_slice %arg4[%add3A_256, %dma_start3A_257] : memref<262144x64xbf16, #tpu.memory_space<hbm>> -> memref<512x64xbf16, #tpu.memory_space<hbm>>
      %dma_start3A_259 = arith.constant 0 : i32
      %dma_start3A_260 = tpu.memref_slice %arg4[%add3A_256, %dma_start3A_259] : memref<262144x64xbf16, #tpu.memory_space<hbm>> -> memref<512x64xbf16, #tpu.memory_space<hbm>>
      tpu.enqueue_dma source(%arg7 : memref<512x64xbf16, #tpu.memory_space<vmem>>) target(%dma_start3A_260 : memref<512x64xbf16, #tpu.memory_space<hbm>>) target_semaphore(%run_scoped3A : memref<!tpu.dma_semaphore, #tpu.memory_space<semaphore_mem>>)
      %dma_wait3A_261 = arith.constant 0 : i32
      %dma_wait3A_262 = tpu.memref_slice %arg4[%add3A_256, %dma_wait3A_261] : memref<262144x64xbf16, #tpu.memory_space<hbm>> -> memref<512x64xbf16, #tpu.memory_space<hbm>>
      %dma_wait3A_263 = arith.constant 0 : i32
      %dma_wait3A_264 = tpu.memref_slice %arg4[%add3A_256, %dma_wait3A_263] : memref<262144x64xbf16, #tpu.memory_space<hbm>> -> memref<512x64xbf16, #tpu.memory_space<hbm>>
      tpu.wait_dma2 semaphore(%run_scoped3A : memref<!tpu.dma_semaphore, #tpu.memory_space<semaphore_mem>>) src(%arg7 : memref<512x64xbf16, #tpu.memory_space<vmem>>) dst(%dma_wait3A_264 : memref<512x64xbf16, #tpu.memory_space<hbm>>)
      tpu.yield
    }) : () -> ()
    return
  }
}

module attributes {stable_mosaic.version = 14 : i64} {
  func.func @_knn_uv_body(%arg0: i32, %arg1: i32, %arg2: memref<1x3x2048xf32, #tpu.memory_space<vmem>>, %arg3: memref<1x3x256xf32, #tpu.memory_space<vmem>>, %arg4: memref<1x64x256xf32, #tpu.memory_space<vmem>>, %arg5: memref<64x64xf32, #tpu.memory_space<vmem>>, %arg6: memref<64x64xf32, #tpu.memory_space<vmem>>, %arg7: memref<1x256x16xi32, #tpu.memory_space<vmem>>, %arg8: memref<1x256x64xf32, #tpu.memory_space<vmem>>, %arg9: memref<1x256x64xf32, #tpu.memory_space<vmem>>) attributes {dimension_semantics = [#tpu.dimension_semantics<arbitrary>, #tpu.dimension_semantics<arbitrary>], iteration_bounds = array<i64: 8, 8>, scalar_prefetch = 0 : i64, scratch_operands = 0 : i64, tpu.core_type = #tpu.core_type<tc>, window_params = [{transform_indices = @transform_0, window_bounds = array<i64: 1, 3, 2048>}, {transform_indices = @transform_1, window_bounds = array<i64: 1, 3, 256>}, {transform_indices = @transform_2, window_bounds = array<i64: 1, 64, 256>}, {pipeline_mode = #tpu.pipeline_mode<synchronous>, transform_indices = @transform_3, window_bounds = array<i64: 64, 64>}, {pipeline_mode = #tpu.pipeline_mode<synchronous>, transform_indices = @transform_4, window_bounds = array<i64: 64, 64>}, {transform_indices = @transform_5, window_bounds = array<i64: 1, 256, 16>}, {transform_indices = @transform_6, window_bounds = array<i64: 1, 256, 64>}, {transform_indices = @transform_7, window_bounds = array<i64: 1, 256, 64>}]} {
    %get3A = arith.constant 0 : index
    %get3A_0 = arith.constant 0 : index
    %get3A_1 = arith.constant 0 : index
    %get3A_2 = vector.load %arg2[%get3A, %get3A_0, %get3A_1] : memref<1x3x2048xf32, #tpu.memory_space<vmem>>, vector<1x3x2048xf32>
    %get3A_3 = vector.shape_cast %get3A_2 : vector<1x3x2048xf32> to vector<3x2048xf32>
    %get3A_4 = arith.constant 0 : index
    %get3A_5 = arith.constant 0 : index
    %get3A_6 = arith.constant 0 : index
    %get3A_7 = vector.load %arg3[%get3A_4, %get3A_5, %get3A_6] : memref<1x3x256xf32, #tpu.memory_space<vmem>>, vector<1x3x256xf32>
    %get3A_8 = vector.shape_cast %get3A_7 : vector<1x3x256xf32> to vector<3x256xf32>
    %mul3A = arith.mulf %get3A_3, %get3A_3 : vector<3x2048xf32>
    %reduce_sum3A = arith.constant dense<0.000000e+00> : vector<2048xf32>
    %reduce_sum3A_9 = vector.multi_reduction <add>, %mul3A, %reduce_sum3A [0] : vector<3x2048xf32> to vector<2048xf32>
    %broadcast_in_dim3A = vector.shape_cast %reduce_sum3A_9 : vector<2048xf32> to vector<1x2048xf32>
    %mul3A_10 = arith.mulf %get3A_8, %get3A_8 : vector<3x256xf32>
    %reduce_sum3A_11 = arith.constant dense<0.000000e+00> : vector<256xf32>
    %reduce_sum3A_12 = vector.multi_reduction <add>, %mul3A_10, %reduce_sum3A_11 [0] : vector<3x256xf32> to vector<256xf32>
    %broadcast_in_dim3A_13 = vector.shape_cast %reduce_sum3A_12 : vector<256xf32> to vector<256x1xf32>
    %dot_general3A = arith.constant dense<0.000000e+00> : vector<256x2048xf32>
    %dot_general3A_14 = tpu.matmul %get3A_8, %get3A_3, %dot_general3A {dimension_numbers = #tpu.dot_dimension_numbers<[0], [0], [1], [1], [0, 1, 1, 1], [], []>, transpose_lhs_hint = false} : vector<3x256xf32>, vector<3x2048xf32>, vector<256x2048xf32> -> vector<256x2048xf32>
    %mul3A_15 = arith.constant -2.000000e+00 : f32
    %mul3A_16 = vector.broadcast %mul3A_15 : f32 to vector<256x2048xf32>
    %mul3A_17 = arith.mulf %mul3A_16, %dot_general3A_14 : vector<256x2048xf32>
    %neg3A = arith.constant 0.000000e+00 : f32
    %neg3A_18 = vector.broadcast %neg3A : f32 to vector<256x1xf32>
    %neg3A_19 = arith.subf %neg3A_18, %broadcast_in_dim3A_13 : vector<256x1xf32>
    %sub3A = vector.broadcast %neg3A_19 : vector<256x1xf32> to vector<256x2048xf32>
    %sub3A_20 = arith.subf %sub3A, %mul3A_17 : vector<256x2048xf32>
    %sub3A_21 = vector.broadcast %broadcast_in_dim3A : vector<1x2048xf32> to vector<256x2048xf32>
    %sub3A_22 = arith.subf %sub3A_20, %sub3A_21 : vector<256x2048xf32>
    %iota3A = tpu.iota {dimensions = array<i32: 1>} : vector<256x2048xi32>
    %convert_element_type3A = arith.sitofp %iota3A : vector<256x2048xi32> to vector<256x2048xf32>
    %reduce_max3A = arith.constant dense<0xFF800000> : vector<256xf32>
    %reduce_max3A_23 = vector.multi_reduction <maximumf>, %sub3A_22, %reduce_max3A [1] : vector<256x2048xf32> to vector<256xf32>
    %broadcast_in_dim3A_24 = vector.shape_cast %reduce_max3A_23 : vector<256xf32> to vector<256x1xf32>
    %eq3A = vector.broadcast %broadcast_in_dim3A_24 : vector<256x1xf32> to vector<256x2048xf32>
    %eq3A_25 = arith.cmpf oeq, %sub3A_22, %eq3A : vector<256x2048xf32>
    %jit3A = arith.constant 3.000000e+38 : f32
    %broadcast_in_dim3A_26 = vector.broadcast %jit3A : f32 to vector<256x2048xf32>
    %select_n3A = arith.select %eq3A_25, %convert_element_type3A, %broadcast_in_dim3A_26 : vector<256x2048xi1>, vector<256x2048xf32>
    %reduce_min3A = arith.constant dense<0x7F800000> : vector<256xf32>
    %reduce_min3A_27 = vector.multi_reduction <minimumf>, %select_n3A, %reduce_min3A [1] : vector<256x2048xf32> to vector<256xf32>
    %broadcast_in_dim3A_28 = vector.shape_cast %reduce_min3A_27 : vector<256xf32> to vector<256x1xf32>
    %eq3A_29 = vector.broadcast %broadcast_in_dim3A_28 : vector<256x1xf32> to vector<256x2048xf32>
    %eq3A_30 = arith.cmpf oeq, %convert_element_type3A, %eq3A_29 : vector<256x2048xf32>
    %jit3A_31 = arith.constant -3.000000e+38 : f32
    %broadcast_in_dim3A_32 = vector.broadcast %jit3A_31 : f32 to vector<256x2048xf32>
    %select_n3A_33 = arith.select %eq3A_30, %broadcast_in_dim3A_32, %sub3A_22 : vector<256x2048xi1>, vector<256x2048xf32>
    %reduce_max3A_34 = arith.constant dense<0xFF800000> : vector<256xf32>
    %reduce_max3A_35 = vector.multi_reduction <maximumf>, %select_n3A_33, %reduce_max3A_34 [1] : vector<256x2048xf32> to vector<256xf32>
    %broadcast_in_dim3A_36 = vector.shape_cast %reduce_max3A_35 : vector<256xf32> to vector<256x1xf32>
    %eq3A_37 = vector.broadcast %broadcast_in_dim3A_36 : vector<256x1xf32> to vector<256x2048xf32>
    %eq3A_38 = arith.cmpf oeq, %select_n3A_33, %eq3A_37 : vector<256x2048xf32>
    %jit3A_39 = arith.constant 3.000000e+38 : f32
    %broadcast_in_dim3A_40 = vector.broadcast %jit3A_39 : f32 to vector<256x2048xf32>
    %select_n3A_41 = arith.select %eq3A_38, %convert_element_type3A, %broadcast_in_dim3A_40 : vector<256x2048xi1>, vector<256x2048xf32>
    %reduce_min3A_42 = arith.constant dense<0x7F800000> : vector<256xf32>
    %reduce_min3A_43 = vector.multi_reduction <minimumf>, %select_n3A_41, %reduce_min3A_42 [1] : vector<256x2048xf32> to vector<256xf32>
    %broadcast_in_dim3A_44 = vector.shape_cast %reduce_min3A_43 : vector<256xf32> to vector<256x1xf32>
    %eq3A_45 = vector.broadcast %broadcast_in_dim3A_44 : vector<256x1xf32> to vector<256x2048xf32>
    %eq3A_46 = arith.cmpf oeq, %convert_element_type3A, %eq3A_45 : vector<256x2048xf32>
    %jit3A_47 = arith.constant -3.000000e+38 : f32
    %broadcast_in_dim3A_48 = vector.broadcast %jit3A_47 : f32 to vector<256x2048xf32>
    %select_n3A_49 = arith.select %eq3A_46, %broadcast_in_dim3A_48, %select_n3A_33 : vector<256x2048xi1>, vector<256x2048xf32>
    %reduce_max3A_50 = arith.constant dense<0xFF800000> : vector<256xf32>
    %reduce_max3A_51 = vector.multi_reduction <maximumf>, %select_n3A_49, %reduce_max3A_50 [1] : vector<256x2048xf32> to vector<256xf32>
    %broadcast_in_dim3A_52 = vector.shape_cast %reduce_max3A_51 : vector<256xf32> to vector<256x1xf32>
    %eq3A_53 = vector.broadcast %broadcast_in_dim3A_52 : vector<256x1xf32> to vector<256x2048xf32>
    %eq3A_54 = arith.cmpf oeq, %select_n3A_49, %eq3A_53 : vector<256x2048xf32>
    %jit3A_55 = arith.constant 3.000000e+38 : f32
    %broadcast_in_dim3A_56 = vector.broadcast %jit3A_55 : f32 to vector<256x2048xf32>
    %select_n3A_57 = arith.select %eq3A_54, %convert_element_type3A, %broadcast_in_dim3A_56 : vector<256x2048xi1>, vector<256x2048xf32>
    %reduce_min3A_58 = arith.constant dense<0x7F800000> : vector<256xf32>
    %reduce_min3A_59 = vector.multi_reduction <minimumf>, %select_n3A_57, %reduce_min3A_58 [1] : vector<256x2048xf32> to vector<256xf32>
    %broadcast_in_dim3A_60 = vector.shape_cast %reduce_min3A_59 : vector<256xf32> to vector<256x1xf32>
    %eq3A_61 = vector.broadcast %broadcast_in_dim3A_60 : vector<256x1xf32> to vector<256x2048xf32>
    %eq3A_62 = arith.cmpf oeq, %convert_element_type3A, %eq3A_61 : vector<256x2048xf32>
    %jit3A_63 = arith.constant -3.000000e+38 : f32
    %broadcast_in_dim3A_64 = vector.broadcast %jit3A_63 : f32 to vector<256x2048xf32>
    %select_n3A_65 = arith.select %eq3A_62, %broadcast_in_dim3A_64, %select_n3A_49 : vector<256x2048xi1>, vector<256x2048xf32>
    %reduce_max3A_66 = arith.constant dense<0xFF800000> : vector<256xf32>
    %reduce_max3A_67 = vector.multi_reduction <maximumf>, %select_n3A_65, %reduce_max3A_66 [1] : vector<256x2048xf32> to vector<256xf32>
    %broadcast_in_dim3A_68 = vector.shape_cast %reduce_max3A_67 : vector<256xf32> to vector<256x1xf32>
    %eq3A_69 = vector.broadcast %broadcast_in_dim3A_68 : vector<256x1xf32> to vector<256x2048xf32>
    %eq3A_70 = arith.cmpf oeq, %select_n3A_65, %eq3A_69 : vector<256x2048xf32>
    %jit3A_71 = arith.constant 3.000000e+38 : f32
    %broadcast_in_dim3A_72 = vector.broadcast %jit3A_71 : f32 to vector<256x2048xf32>
    %select_n3A_73 = arith.select %eq3A_70, %convert_element_type3A, %broadcast_in_dim3A_72 : vector<256x2048xi1>, vector<256x2048xf32>
    %reduce_min3A_74 = arith.constant dense<0x7F800000> : vector<256xf32>
    %reduce_min3A_75 = vector.multi_reduction <minimumf>, %select_n3A_73, %reduce_min3A_74 [1] : vector<256x2048xf32> to vector<256xf32>
    %broadcast_in_dim3A_76 = vector.shape_cast %reduce_min3A_75 : vector<256xf32> to vector<256x1xf32>
    %eq3A_77 = vector.broadcast %broadcast_in_dim3A_76 : vector<256x1xf32> to vector<256x2048xf32>
    %eq3A_78 = arith.cmpf oeq, %convert_element_type3A, %eq3A_77 : vector<256x2048xf32>
    %jit3A_79 = arith.constant -3.000000e+38 : f32
    %broadcast_in_dim3A_80 = vector.broadcast %jit3A_79 : f32 to vector<256x2048xf32>
    %select_n3A_81 = arith.select %eq3A_78, %broadcast_in_dim3A_80, %select_n3A_65 : vector<256x2048xi1>, vector<256x2048xf32>
    %reduce_max3A_82 = arith.constant dense<0xFF800000> : vector<256xf32>
    %reduce_max3A_83 = vector.multi_reduction <maximumf>, %select_n3A_81, %reduce_max3A_82 [1] : vector<256x2048xf32> to vector<256xf32>
    %broadcast_in_dim3A_84 = vector.shape_cast %reduce_max3A_83 : vector<256xf32> to vector<256x1xf32>
    %eq3A_85 = vector.broadcast %broadcast_in_dim3A_84 : vector<256x1xf32> to vector<256x2048xf32>
    %eq3A_86 = arith.cmpf oeq, %select_n3A_81, %eq3A_85 : vector<256x2048xf32>
    %jit3A_87 = arith.constant 3.000000e+38 : f32
    %broadcast_in_dim3A_88 = vector.broadcast %jit3A_87 : f32 to vector<256x2048xf32>
    %select_n3A_89 = arith.select %eq3A_86, %convert_element_type3A, %broadcast_in_dim3A_88 : vector<256x2048xi1>, vector<256x2048xf32>
    %reduce_min3A_90 = arith.constant dense<0x7F800000> : vector<256xf32>
    %reduce_min3A_91 = vector.multi_reduction <minimumf>, %select_n3A_89, %reduce_min3A_90 [1] : vector<256x2048xf32> to vector<256xf32>
    %broadcast_in_dim3A_92 = vector.shape_cast %reduce_min3A_91 : vector<256xf32> to vector<256x1xf32>
    %eq3A_93 = vector.broadcast %broadcast_in_dim3A_92 : vector<256x1xf32> to vector<256x2048xf32>
    %eq3A_94 = arith.cmpf oeq, %convert_element_type3A, %eq3A_93 : vector<256x2048xf32>
    %jit3A_95 = arith.constant -3.000000e+38 : f32
    %broadcast_in_dim3A_96 = vector.broadcast %jit3A_95 : f32 to vector<256x2048xf32>
    %select_n3A_97 = arith.select %eq3A_94, %broadcast_in_dim3A_96, %select_n3A_81 : vector<256x2048xi1>, vector<256x2048xf32>
    %reduce_max3A_98 = arith.constant dense<0xFF800000> : vector<256xf32>
    %reduce_max3A_99 = vector.multi_reduction <maximumf>, %select_n3A_97, %reduce_max3A_98 [1] : vector<256x2048xf32> to vector<256xf32>
    %broadcast_in_dim3A_100 = vector.shape_cast %reduce_max3A_99 : vector<256xf32> to vector<256x1xf32>
    %eq3A_101 = vector.broadcast %broadcast_in_dim3A_100 : vector<256x1xf32> to vector<256x2048xf32>
    %eq3A_102 = arith.cmpf oeq, %select_n3A_97, %eq3A_101 : vector<256x2048xf32>
    %jit3A_103 = arith.constant 3.000000e+38 : f32
    %broadcast_in_dim3A_104 = vector.broadcast %jit3A_103 : f32 to vector<256x2048xf32>
    %select_n3A_105 = arith.select %eq3A_102, %convert_element_type3A, %broadcast_in_dim3A_104 : vector<256x2048xi1>, vector<256x2048xf32>
    %reduce_min3A_106 = arith.constant dense<0x7F800000> : vector<256xf32>
    %reduce_min3A_107 = vector.multi_reduction <minimumf>, %select_n3A_105, %reduce_min3A_106 [1] : vector<256x2048xf32> to vector<256xf32>
    %broadcast_in_dim3A_108 = vector.shape_cast %reduce_min3A_107 : vector<256xf32> to vector<256x1xf32>
    %eq3A_109 = vector.broadcast %broadcast_in_dim3A_108 : vector<256x1xf32> to vector<256x2048xf32>
    %eq3A_110 = arith.cmpf oeq, %convert_element_type3A, %eq3A_109 : vector<256x2048xf32>
    %jit3A_111 = arith.constant -3.000000e+38 : f32
    %broadcast_in_dim3A_112 = vector.broadcast %jit3A_111 : f32 to vector<256x2048xf32>
    %select_n3A_113 = arith.select %eq3A_110, %broadcast_in_dim3A_112, %select_n3A_97 : vector<256x2048xi1>, vector<256x2048xf32>
    %reduce_max3A_114 = arith.constant dense<0xFF800000> : vector<256xf32>
    %reduce_max3A_115 = vector.multi_reduction <maximumf>, %select_n3A_113, %reduce_max3A_114 [1] : vector<256x2048xf32> to vector<256xf32>
    %broadcast_in_dim3A_116 = vector.shape_cast %reduce_max3A_115 : vector<256xf32> to vector<256x1xf32>
    %eq3A_117 = vector.broadcast %broadcast_in_dim3A_116 : vector<256x1xf32> to vector<256x2048xf32>
    %eq3A_118 = arith.cmpf oeq, %select_n3A_113, %eq3A_117 : vector<256x2048xf32>
    %jit3A_119 = arith.constant 3.000000e+38 : f32
    %broadcast_in_dim3A_120 = vector.broadcast %jit3A_119 : f32 to vector<256x2048xf32>
    %select_n3A_121 = arith.select %eq3A_118, %convert_element_type3A, %broadcast_in_dim3A_120 : vector<256x2048xi1>, vector<256x2048xf32>
    %reduce_min3A_122 = arith.constant dense<0x7F800000> : vector<256xf32>
    %reduce_min3A_123 = vector.multi_reduction <minimumf>, %select_n3A_121, %reduce_min3A_122 [1] : vector<256x2048xf32> to vector<256xf32>
    %broadcast_in_dim3A_124 = vector.shape_cast %reduce_min3A_123 : vector<256xf32> to vector<256x1xf32>
    %eq3A_125 = vector.broadcast %broadcast_in_dim3A_124 : vector<256x1xf32> to vector<256x2048xf32>
    %eq3A_126 = arith.cmpf oeq, %convert_element_type3A, %eq3A_125 : vector<256x2048xf32>
    %jit3A_127 = arith.constant -3.000000e+38 : f32
    %broadcast_in_dim3A_128 = vector.broadcast %jit3A_127 : f32 to vector<256x2048xf32>
    %select_n3A_129 = arith.select %eq3A_126, %broadcast_in_dim3A_128, %select_n3A_113 : vector<256x2048xi1>, vector<256x2048xf32>
    %reduce_max3A_130 = arith.constant dense<0xFF800000> : vector<256xf32>
    %reduce_max3A_131 = vector.multi_reduction <maximumf>, %select_n3A_129, %reduce_max3A_130 [1] : vector<256x2048xf32> to vector<256xf32>
    %broadcast_in_dim3A_132 = vector.shape_cast %reduce_max3A_131 : vector<256xf32> to vector<256x1xf32>
    %eq3A_133 = vector.broadcast %broadcast_in_dim3A_132 : vector<256x1xf32> to vector<256x2048xf32>
    %eq3A_134 = arith.cmpf oeq, %select_n3A_129, %eq3A_133 : vector<256x2048xf32>
    %jit3A_135 = arith.constant 3.000000e+38 : f32
    %broadcast_in_dim3A_136 = vector.broadcast %jit3A_135 : f32 to vector<256x2048xf32>
    %select_n3A_137 = arith.select %eq3A_134, %convert_element_type3A, %broadcast_in_dim3A_136 : vector<256x2048xi1>, vector<256x2048xf32>
    %reduce_min3A_138 = arith.constant dense<0x7F800000> : vector<256xf32>
    %reduce_min3A_139 = vector.multi_reduction <minimumf>, %select_n3A_137, %reduce_min3A_138 [1] : vector<256x2048xf32> to vector<256xf32>
    %broadcast_in_dim3A_140 = vector.shape_cast %reduce_min3A_139 : vector<256xf32> to vector<256x1xf32>
    %eq3A_141 = vector.broadcast %broadcast_in_dim3A_140 : vector<256x1xf32> to vector<256x2048xf32>
    %eq3A_142 = arith.cmpf oeq, %convert_element_type3A, %eq3A_141 : vector<256x2048xf32>
    %jit3A_143 = arith.constant -3.000000e+38 : f32
    %broadcast_in_dim3A_144 = vector.broadcast %jit3A_143 : f32 to vector<256x2048xf32>
    %select_n3A_145 = arith.select %eq3A_142, %broadcast_in_dim3A_144, %select_n3A_129 : vector<256x2048xi1>, vector<256x2048xf32>
    %reduce_max3A_146 = arith.constant dense<0xFF800000> : vector<256xf32>
    %reduce_max3A_147 = vector.multi_reduction <maximumf>, %select_n3A_145, %reduce_max3A_146 [1] : vector<256x2048xf32> to vector<256xf32>
    %broadcast_in_dim3A_148 = vector.shape_cast %reduce_max3A_147 : vector<256xf32> to vector<256x1xf32>
    %eq3A_149 = vector.broadcast %broadcast_in_dim3A_148 : vector<256x1xf32> to vector<256x2048xf32>
    %eq3A_150 = arith.cmpf oeq, %select_n3A_145, %eq3A_149 : vector<256x2048xf32>
    %jit3A_151 = arith.constant 3.000000e+38 : f32
    %broadcast_in_dim3A_152 = vector.broadcast %jit3A_151 : f32 to vector<256x2048xf32>
    %select_n3A_153 = arith.select %eq3A_150, %convert_element_type3A, %broadcast_in_dim3A_152 : vector<256x2048xi1>, vector<256x2048xf32>
    %reduce_min3A_154 = arith.constant dense<0x7F800000> : vector<256xf32>
    %reduce_min3A_155 = vector.multi_reduction <minimumf>, %select_n3A_153, %reduce_min3A_154 [1] : vector<256x2048xf32> to vector<256xf32>
    %broadcast_in_dim3A_156 = vector.shape_cast %reduce_min3A_155 : vector<256xf32> to vector<256x1xf32>
    %eq3A_157 = vector.broadcast %broadcast_in_dim3A_156 : vector<256x1xf32> to vector<256x2048xf32>
    %eq3A_158 = arith.cmpf oeq, %convert_element_type3A, %eq3A_157 : vector<256x2048xf32>
    %jit3A_159 = arith.constant -3.000000e+38 : f32
    %broadcast_in_dim3A_160 = vector.broadcast %jit3A_159 : f32 to vector<256x2048xf32>
    %select_n3A_161 = arith.select %eq3A_158, %broadcast_in_dim3A_160, %select_n3A_145 : vector<256x2048xi1>, vector<256x2048xf32>
    %reduce_max3A_162 = arith.constant dense<0xFF800000> : vector<256xf32>
    %reduce_max3A_163 = vector.multi_reduction <maximumf>, %select_n3A_161, %reduce_max3A_162 [1] : vector<256x2048xf32> to vector<256xf32>
    %broadcast_in_dim3A_164 = vector.shape_cast %reduce_max3A_163 : vector<256xf32> to vector<256x1xf32>
    %eq3A_165 = vector.broadcast %broadcast_in_dim3A_164 : vector<256x1xf32> to vector<256x2048xf32>
    %eq3A_166 = arith.cmpf oeq, %select_n3A_161, %eq3A_165 : vector<256x2048xf32>
    %jit3A_167 = arith.constant 3.000000e+38 : f32
    %broadcast_in_dim3A_168 = vector.broadcast %jit3A_167 : f32 to vector<256x2048xf32>
    %select_n3A_169 = arith.select %eq3A_166, %convert_element_type3A, %broadcast_in_dim3A_168 : vector<256x2048xi1>, vector<256x2048xf32>
    %reduce_min3A_170 = arith.constant dense<0x7F800000> : vector<256xf32>
    %reduce_min3A_171 = vector.multi_reduction <minimumf>, %select_n3A_169, %reduce_min3A_170 [1] : vector<256x2048xf32> to vector<256xf32>
    %broadcast_in_dim3A_172 = vector.shape_cast %reduce_min3A_171 : vector<256xf32> to vector<256x1xf32>
    %eq3A_173 = vector.broadcast %broadcast_in_dim3A_172 : vector<256x1xf32> to vector<256x2048xf32>
    %eq3A_174 = arith.cmpf oeq, %convert_element_type3A, %eq3A_173 : vector<256x2048xf32>
    %jit3A_175 = arith.constant -3.000000e+38 : f32
    %broadcast_in_dim3A_176 = vector.broadcast %jit3A_175 : f32 to vector<256x2048xf32>
    %select_n3A_177 = arith.select %eq3A_174, %broadcast_in_dim3A_176, %select_n3A_161 : vector<256x2048xi1>, vector<256x2048xf32>
    %reduce_max3A_178 = arith.constant dense<0xFF800000> : vector<256xf32>
    %reduce_max3A_179 = vector.multi_reduction <maximumf>, %select_n3A_177, %reduce_max3A_178 [1] : vector<256x2048xf32> to vector<256xf32>
    %broadcast_in_dim3A_180 = vector.shape_cast %reduce_max3A_179 : vector<256xf32> to vector<256x1xf32>
    %eq3A_181 = vector.broadcast %broadcast_in_dim3A_180 : vector<256x1xf32> to vector<256x2048xf32>
    %eq3A_182 = arith.cmpf oeq, %select_n3A_177, %eq3A_181 : vector<256x2048xf32>
    %jit3A_183 = arith.constant 3.000000e+38 : f32
    %broadcast_in_dim3A_184 = vector.broadcast %jit3A_183 : f32 to vector<256x2048xf32>
    %select_n3A_185 = arith.select %eq3A_182, %convert_element_type3A, %broadcast_in_dim3A_184 : vector<256x2048xi1>, vector<256x2048xf32>
    %reduce_min3A_186 = arith.constant dense<0x7F800000> : vector<256xf32>
    %reduce_min3A_187 = vector.multi_reduction <minimumf>, %select_n3A_185, %reduce_min3A_186 [1] : vector<256x2048xf32> to vector<256xf32>
    %broadcast_in_dim3A_188 = vector.shape_cast %reduce_min3A_187 : vector<256xf32> to vector<256x1xf32>
    %eq3A_189 = vector.broadcast %broadcast_in_dim3A_188 : vector<256x1xf32> to vector<256x2048xf32>
    %eq3A_190 = arith.cmpf oeq, %convert_element_type3A, %eq3A_189 : vector<256x2048xf32>
    %jit3A_191 = arith.constant -3.000000e+38 : f32
    %broadcast_in_dim3A_192 = vector.broadcast %jit3A_191 : f32 to vector<256x2048xf32>
    %select_n3A_193 = arith.select %eq3A_190, %broadcast_in_dim3A_192, %select_n3A_177 : vector<256x2048xi1>, vector<256x2048xf32>
    %reduce_max3A_194 = arith.constant dense<0xFF800000> : vector<256xf32>
    %reduce_max3A_195 = vector.multi_reduction <maximumf>, %select_n3A_193, %reduce_max3A_194 [1] : vector<256x2048xf32> to vector<256xf32>
    %broadcast_in_dim3A_196 = vector.shape_cast %reduce_max3A_195 : vector<256xf32> to vector<256x1xf32>
    %eq3A_197 = vector.broadcast %broadcast_in_dim3A_196 : vector<256x1xf32> to vector<256x2048xf32>
    %eq3A_198 = arith.cmpf oeq, %select_n3A_193, %eq3A_197 : vector<256x2048xf32>
    %jit3A_199 = arith.constant 3.000000e+38 : f32
    %broadcast_in_dim3A_200 = vector.broadcast %jit3A_199 : f32 to vector<256x2048xf32>
    %select_n3A_201 = arith.select %eq3A_198, %convert_element_type3A, %broadcast_in_dim3A_200 : vector<256x2048xi1>, vector<256x2048xf32>
    %reduce_min3A_202 = arith.constant dense<0x7F800000> : vector<256xf32>
    %reduce_min3A_203 = vector.multi_reduction <minimumf>, %select_n3A_201, %reduce_min3A_202 [1] : vector<256x2048xf32> to vector<256xf32>
    %broadcast_in_dim3A_204 = vector.shape_cast %reduce_min3A_203 : vector<256xf32> to vector<256x1xf32>
    %eq3A_205 = vector.broadcast %broadcast_in_dim3A_204 : vector<256x1xf32> to vector<256x2048xf32>
    %eq3A_206 = arith.cmpf oeq, %convert_element_type3A, %eq3A_205 : vector<256x2048xf32>
    %jit3A_207 = arith.constant -3.000000e+38 : f32
    %broadcast_in_dim3A_208 = vector.broadcast %jit3A_207 : f32 to vector<256x2048xf32>
    %select_n3A_209 = arith.select %eq3A_206, %broadcast_in_dim3A_208, %select_n3A_193 : vector<256x2048xi1>, vector<256x2048xf32>
    %reduce_max3A_210 = arith.constant dense<0xFF800000> : vector<256xf32>
    %reduce_max3A_211 = vector.multi_reduction <maximumf>, %select_n3A_209, %reduce_max3A_210 [1] : vector<256x2048xf32> to vector<256xf32>
    %broadcast_in_dim3A_212 = vector.shape_cast %reduce_max3A_211 : vector<256xf32> to vector<256x1xf32>
    %eq3A_213 = vector.broadcast %broadcast_in_dim3A_212 : vector<256x1xf32> to vector<256x2048xf32>
    %eq3A_214 = arith.cmpf oeq, %select_n3A_209, %eq3A_213 : vector<256x2048xf32>
    %jit3A_215 = arith.constant 3.000000e+38 : f32
    %broadcast_in_dim3A_216 = vector.broadcast %jit3A_215 : f32 to vector<256x2048xf32>
    %select_n3A_217 = arith.select %eq3A_214, %convert_element_type3A, %broadcast_in_dim3A_216 : vector<256x2048xi1>, vector<256x2048xf32>
    %reduce_min3A_218 = arith.constant dense<0x7F800000> : vector<256xf32>
    %reduce_min3A_219 = vector.multi_reduction <minimumf>, %select_n3A_217, %reduce_min3A_218 [1] : vector<256x2048xf32> to vector<256xf32>
    %broadcast_in_dim3A_220 = vector.shape_cast %reduce_min3A_219 : vector<256xf32> to vector<256x1xf32>
    %eq3A_221 = vector.broadcast %broadcast_in_dim3A_220 : vector<256x1xf32> to vector<256x2048xf32>
    %eq3A_222 = arith.cmpf oeq, %convert_element_type3A, %eq3A_221 : vector<256x2048xf32>
    %jit3A_223 = arith.constant -3.000000e+38 : f32
    %broadcast_in_dim3A_224 = vector.broadcast %jit3A_223 : f32 to vector<256x2048xf32>
    %select_n3A_225 = arith.select %eq3A_222, %broadcast_in_dim3A_224, %select_n3A_209 : vector<256x2048xi1>, vector<256x2048xf32>
    %reduce_max3A_226 = arith.constant dense<0xFF800000> : vector<256xf32>
    %reduce_max3A_227 = vector.multi_reduction <maximumf>, %select_n3A_225, %reduce_max3A_226 [1] : vector<256x2048xf32> to vector<256xf32>
    %broadcast_in_dim3A_228 = vector.shape_cast %reduce_max3A_227 : vector<256xf32> to vector<256x1xf32>
    %eq3A_229 = vector.broadcast %broadcast_in_dim3A_228 : vector<256x1xf32> to vector<256x2048xf32>
    %eq3A_230 = arith.cmpf oeq, %select_n3A_225, %eq3A_229 : vector<256x2048xf32>
    %jit3A_231 = arith.constant 3.000000e+38 : f32
    %broadcast_in_dim3A_232 = vector.broadcast %jit3A_231 : f32 to vector<256x2048xf32>
    %select_n3A_233 = arith.select %eq3A_230, %convert_element_type3A, %broadcast_in_dim3A_232 : vector<256x2048xi1>, vector<256x2048xf32>
    %reduce_min3A_234 = arith.constant dense<0x7F800000> : vector<256xf32>
    %reduce_min3A_235 = vector.multi_reduction <minimumf>, %select_n3A_233, %reduce_min3A_234 [1] : vector<256x2048xf32> to vector<256xf32>
    %broadcast_in_dim3A_236 = vector.shape_cast %reduce_min3A_235 : vector<256xf32> to vector<256x1xf32>
    %eq3A_237 = vector.broadcast %broadcast_in_dim3A_236 : vector<256x1xf32> to vector<256x2048xf32>
    %eq3A_238 = arith.cmpf oeq, %convert_element_type3A, %eq3A_237 : vector<256x2048xf32>
    %jit3A_239 = arith.constant -3.000000e+38 : f32
    %broadcast_in_dim3A_240 = vector.broadcast %jit3A_239 : f32 to vector<256x2048xf32>
    %select_n3A_241 = arith.select %eq3A_238, %broadcast_in_dim3A_240, %select_n3A_225 : vector<256x2048xi1>, vector<256x2048xf32>
    %reduce_max3A_242 = arith.constant dense<0xFF800000> : vector<256xf32>
    %reduce_max3A_243 = vector.multi_reduction <maximumf>, %select_n3A_241, %reduce_max3A_242 [1] : vector<256x2048xf32> to vector<256xf32>
    %broadcast_in_dim3A_244 = vector.shape_cast %reduce_max3A_243 : vector<256xf32> to vector<256x1xf32>
    %eq3A_245 = vector.broadcast %broadcast_in_dim3A_244 : vector<256x1xf32> to vector<256x2048xf32>
    %eq3A_246 = arith.cmpf oeq, %select_n3A_241, %eq3A_245 : vector<256x2048xf32>
    %jit3A_247 = arith.constant 3.000000e+38 : f32
    %broadcast_in_dim3A_248 = vector.broadcast %jit3A_247 : f32 to vector<256x2048xf32>
    %select_n3A_249 = arith.select %eq3A_246, %convert_element_type3A, %broadcast_in_dim3A_248 : vector<256x2048xi1>, vector<256x2048xf32>
    %reduce_min3A_250 = arith.constant dense<0x7F800000> : vector<256xf32>
    %reduce_min3A_251 = vector.multi_reduction <minimumf>, %select_n3A_249, %reduce_min3A_250 [1] : vector<256x2048xf32> to vector<256xf32>
    %broadcast_in_dim3A_252 = vector.shape_cast %reduce_min3A_251 : vector<256xf32> to vector<256x1xf32>
    %eq3A_253 = vector.broadcast %broadcast_in_dim3A_252 : vector<256x1xf32> to vector<256x2048xf32>
    %eq3A_254 = arith.cmpf oeq, %convert_element_type3A, %eq3A_253 : vector<256x2048xf32>
    %jit3A_255 = arith.constant -3.000000e+38 : f32
    %broadcast_in_dim3A_256 = vector.broadcast %jit3A_255 : f32 to vector<256x2048xf32>
    %select_n3A_257 = arith.select %eq3A_254, %broadcast_in_dim3A_256, %select_n3A_241 : vector<256x2048xi1>, vector<256x2048xf32>
    %reduce_max3A_258 = arith.constant dense<0xFF800000> : vector<256xf32>
    %reduce_max3A_259 = vector.multi_reduction <maximumf>, %select_n3A_257, %reduce_max3A_258 [1] : vector<256x2048xf32> to vector<256xf32>
    %broadcast_in_dim3A_260 = vector.shape_cast %reduce_max3A_259 : vector<256xf32> to vector<256x1xf32>
    %eq3A_261 = vector.broadcast %broadcast_in_dim3A_260 : vector<256x1xf32> to vector<256x2048xf32>
    %eq3A_262 = arith.cmpf oeq, %select_n3A_257, %eq3A_261 : vector<256x2048xf32>
    %jit3A_263 = arith.constant 3.000000e+38 : f32
    %broadcast_in_dim3A_264 = vector.broadcast %jit3A_263 : f32 to vector<256x2048xf32>
    %select_n3A_265 = arith.select %eq3A_262, %convert_element_type3A, %broadcast_in_dim3A_264 : vector<256x2048xi1>, vector<256x2048xf32>
    %reduce_min3A_266 = arith.constant dense<0x7F800000> : vector<256xf32>
    %reduce_min3A_267 = vector.multi_reduction <minimumf>, %select_n3A_265, %reduce_min3A_266 [1] : vector<256x2048xf32> to vector<256xf32>
    %broadcast_in_dim3A_268 = vector.shape_cast %reduce_min3A_267 : vector<256xf32> to vector<256x1xf32>
    %eq3A_269 = vector.broadcast %broadcast_in_dim3A_268 : vector<256x1xf32> to vector<256x2048xf32>
    %eq3A_270 = arith.cmpf oeq, %convert_element_type3A, %eq3A_269 : vector<256x2048xf32>
    %jit3A_271 = arith.constant -3.000000e+38 : f32
    %broadcast_in_dim3A_272 = vector.broadcast %jit3A_271 : f32 to vector<256x2048xf32>
    %select_n3A_273 = arith.select %eq3A_270, %broadcast_in_dim3A_272, %select_n3A_257 : vector<256x2048xi1>, vector<256x2048xf32>
    %reduce_max3A_274 = arith.constant dense<0xFF800000> : vector<256xf32>
    %reduce_max3A_275 = vector.multi_reduction <maximumf>, %select_n3A_273, %reduce_max3A_274 [1] : vector<256x2048xf32> to vector<256xf32>
    %broadcast_in_dim3A_276 = vector.shape_cast %reduce_max3A_275 : vector<256xf32> to vector<256x1xf32>
    %eq3A_277 = vector.broadcast %broadcast_in_dim3A_276 : vector<256x1xf32> to vector<256x2048xf32>
    %eq3A_278 = arith.cmpf oeq, %select_n3A_273, %eq3A_277 : vector<256x2048xf32>
    %jit3A_279 = arith.constant 3.000000e+38 : f32
    %broadcast_in_dim3A_280 = vector.broadcast %jit3A_279 : f32 to vector<256x2048xf32>
    %select_n3A_281 = arith.select %eq3A_278, %convert_element_type3A, %broadcast_in_dim3A_280 : vector<256x2048xi1>, vector<256x2048xf32>
    %reduce_min3A_282 = arith.constant dense<0x7F800000> : vector<256xf32>
    %reduce_min3A_283 = vector.multi_reduction <minimumf>, %select_n3A_281, %reduce_min3A_282 [1] : vector<256x2048xf32> to vector<256xf32>
    %broadcast_in_dim3A_284 = vector.shape_cast %reduce_min3A_283 : vector<256xf32> to vector<256x1xf32>
    %concatenate3A = tpu.concatenate %broadcast_in_dim3A_44, %broadcast_in_dim3A_60, %broadcast_in_dim3A_76, %broadcast_in_dim3A_92, %broadcast_in_dim3A_108, %broadcast_in_dim3A_124, %broadcast_in_dim3A_140, %broadcast_in_dim3A_156, %broadcast_in_dim3A_172, %broadcast_in_dim3A_188, %broadcast_in_dim3A_204, %broadcast_in_dim3A_220, %broadcast_in_dim3A_236, %broadcast_in_dim3A_252, %broadcast_in_dim3A_268, %broadcast_in_dim3A_284 in 1 : vector<256x1xf32>, vector<256x1xf32>, vector<256x1xf32>, vector<256x1xf32>, vector<256x1xf32>, vector<256x1xf32>, vector<256x1xf32>, vector<256x1xf32>, vector<256x1xf32>, vector<256x1xf32>, vector<256x1xf32>, vector<256x1xf32>, vector<256x1xf32>, vector<256x1xf32>, vector<256x1xf32>, vector<256x1xf32> -> vector<256x16xf32>
    %convert_element_type3A_285 = arith.fptosi %concatenate3A : vector<256x16xf32> to vector<256x16xi32>
    %mul3A_286 = arith.constant 2048 : i32
    %mul3A_287 = arith.muli %arg0, %mul3A_286 : i32
    %add3A = vector.broadcast %mul3A_287 : i32 to vector<256x16xi32>
    %add3A_288 = arith.addi %convert_element_type3A_285, %add3A : vector<256x16xi32>
    %swap3A = arith.constant 0 : index
    %swap3A_289 = arith.constant 0 : index
    %swap3A_290 = arith.constant 0 : index
    %swap3A_291 = vector.load %arg7[%swap3A, %swap3A_289, %swap3A_290] : memref<1x256x16xi32, #tpu.memory_space<vmem>>, vector<1x256x16xi32>
    %swap3A_292 = vector.shape_cast %swap3A_291 : vector<1x256x16xi32> to vector<256x16xi32>
    %swap3A_293 = vector.shape_cast %add3A_288 : vector<256x16xi32> to vector<1x256x16xi32>
    tpu.vector_store %arg7[%swap3A, %swap3A_289, %swap3A_290], %swap3A_293 {strides = array<i32>} : memref<1x256x16xi32, #tpu.memory_space<vmem>>, vector<1x256x16xi32>,
    %get3A_294 = arith.constant 0 : index
    %get3A_295 = arith.constant 0 : index
    %get3A_296 = vector.load %arg5[%get3A_294, %get3A_295] : memref<64x64xf32, #tpu.memory_space<vmem>>, vector<64x64xf32>
    %get3A_297 = arith.constant 0 : index
    %get3A_298 = arith.constant 0 : index
    %get3A_299 = arith.constant 0 : index
    %get3A_300 = vector.load %arg4[%get3A_297, %get3A_298, %get3A_299] : memref<1x64x256xf32, #tpu.memory_space<vmem>>, vector<1x64x256xf32>
    %get3A_301 = vector.shape_cast %get3A_300 : vector<1x64x256xf32> to vector<64x256xf32>
    %dot_general3A_302 = arith.constant dense<0.000000e+00> : vector<64x256xf32>
    %dot_general3A_303 = tpu.matmul %get3A_296, %get3A_301, %dot_general3A_302 {dimension_numbers = #tpu.dot_dimension_numbers<[1], [0], [0], [1], [0, 0, 1, 1], [], []>, transpose_lhs_hint = false} : vector<64x64xf32>, vector<64x256xf32>, vector<64x256xf32> -> vector<64x256xf32>
    %transpose3A = tpu.transpose %dot_general3A_303, [1, 0] : vector<64x256xf32> -> vector<256x64xf32>
    %swap3A_304 = arith.constant 0 : index
    %swap3A_305 = arith.constant 0 : index
    %swap3A_306 = arith.constant 0 : index
    %swap3A_307 = vector.load %arg8[%swap3A_304, %swap3A_305, %swap3A_306] : memref<1x256x64xf32, #tpu.memory_space<vmem>>, vector<1x256x64xf32>
    %swap3A_308 = vector.shape_cast %swap3A_307 : vector<1x256x64xf32> to vector<256x64xf32>
    %swap3A_309 = vector.shape_cast %transpose3A : vector<256x64xf32> to vector<1x256x64xf32>
    tpu.vector_store %arg8[%swap3A_304, %swap3A_305, %swap3A_306], %swap3A_309 {strides = array<i32>} : memref<1x256x64xf32, #tpu.memory_space<vmem>>, vector<1x256x64xf32>,
    %get3A_310 = arith.constant 0 : index
    %get3A_311 = arith.constant 0 : index
    %get3A_312 = vector.load %arg6[%get3A_310, %get3A_311] : memref<64x64xf32, #tpu.memory_space<vmem>>, vector<64x64xf32>
    %get3A_313 = arith.constant 0 : index
    %get3A_314 = arith.constant 0 : index
    %get3A_315 = arith.constant 0 : index
    %get3A_316 = vector.load %arg4[%get3A_313, %get3A_314, %get3A_315] : memref<1x64x256xf32, #tpu.memory_space<vmem>>, vector<1x64x256xf32>
    %get3A_317 = vector.shape_cast %get3A_316 : vector<1x64x256xf32> to vector<64x256xf32>
    %dot_general3A_318 = arith.constant dense<0.000000e+00> : vector<64x256xf32>
    %dot_general3A_319 = tpu.matmul %get3A_312, %get3A_317, %dot_general3A_318 {dimension_numbers = #tpu.dot_dimension_numbers<[1], [0], [0], [1], [0, 0, 1, 1], [], []>, transpose_lhs_hint = false} : vector<64x64xf32>, vector<64x256xf32>, vector<64x256xf32> -> vector<64x256xf32>
    %transpose3A_320 = tpu.transpose %dot_general3A_319, [1, 0] : vector<64x256xf32> -> vector<256x64xf32>
    %swap3A_321 = arith.constant 0 : index
    %swap3A_322 = arith.constant 0 : index
    %swap3A_323 = arith.constant 0 : index
    %swap3A_324 = vector.load %arg9[%swap3A_321, %swap3A_322, %swap3A_323] : memref<1x256x64xf32, #tpu.memory_space<vmem>>, vector<1x256x64xf32>
    %swap3A_325 = vector.shape_cast %swap3A_324 : vector<1x256x64xf32> to vector<256x64xf32>
    %swap3A_326 = vector.shape_cast %transpose3A_320 : vector<256x64xf32> to vector<1x256x64xf32>
    tpu.vector_store %arg9[%swap3A_321, %swap3A_322, %swap3A_323], %swap3A_326 {strides = array<i32>} : memref<1x256x64xf32, #tpu.memory_space<vmem>>, vector<1x256x64xf32>,
    return
  }
  func.func @transform_0(%arg0: i32, %arg1: i32) -> (i32, i32, i32) {
    %c0_i32 = arith.constant 0 : i32
    %c0_i32_0 = arith.constant 0 : i32
    %c0_i32_1 = arith.constant 0 : i32
    return %arg0, %c0_i32, %c0_i32_0 : i32, i32, i32
  }
  func.func @transform_1(%arg0: i32, %arg1: i32) -> (i32, i32, i32) {
    %c0_i32 = arith.constant 0 : i32
    %c0_i32_0 = arith.constant 0 : i32
    return %arg0, %c0_i32, %arg1 : i32, i32, i32
  }
  func.func @transform_2(%arg0: i32, %arg1: i32) -> (i32, i32, i32) {
    %c0_i32 = arith.constant 0 : i32
    %c0_i32_0 = arith.constant 0 : i32
    return %arg0, %c0_i32, %arg1 : i32, i32, i32
  }
  func.func @transform_3(%arg0: i32, %arg1: i32) -> (i32, i32) {
    %c0_i32 = arith.constant 0 : i32
    %c0_i32_0 = arith.constant 0 : i32
    %c0_i32_1 = arith.constant 0 : i32
    return %c0_i32, %c0_i32_0 : i32, i32
  }
  func.func @transform_4(%arg0: i32, %arg1: i32) -> (i32, i32) {
    %c0_i32 = arith.constant 0 : i32
    %c0_i32_0 = arith.constant 0 : i32
    %c0_i32_1 = arith.constant 0 : i32
    return %c0_i32, %c0_i32_0 : i32, i32
  }
  func.func @transform_5(%arg0: i32, %arg1: i32) -> (i32, i32, i32) {
    %c0_i32 = arith.constant 0 : i32
    %c0_i32_0 = arith.constant 0 : i32
    return %arg0, %arg1, %c0_i32 : i32, i32, i32
  }
  func.func @transform_6(%arg0: i32, %arg1: i32) -> (i32, i32, i32) {
    %c0_i32 = arith.constant 0 : i32
    %c0_i32_0 = arith.constant 0 : i32
    return %arg0, %arg1, %c0_i32 : i32, i32, i32
  }
  func.func @transform_7(%arg0: i32, %arg1: i32) -> (i32, i32, i32) {
    %c0_i32 = arith.constant 0 : i32
    %c0_i32_0 = arith.constant 0 : i32
    return %arg0, %arg1, %c0_i32 : i32, i32, i32
  }
}

module attributes {stable_mosaic.version = 14 : i64} {
  func.func @_pass_a_body(%arg0: i32, %arg1: memref<1024x256xbf16, #tpu.memory_space<vmem>>, %arg2: memref<256x64xf32, #tpu.memory_space<vmem>>, %arg3: memref<8x256xf32, #tpu.memory_space<vmem>>, %arg4: memref<8x256xf32, #tpu.memory_space<vmem>>) attributes {dimension_semantics = [#tpu.dimension_semantics<arbitrary>], iteration_bounds = array<i64: 64>, scalar_prefetch = 0 : i64, scratch_operands = 0 : i64, tpu.core_type = #tpu.core_type<tc>, window_params = [{transform_indices = @transform_0, window_bounds = array<i64: 1024, 256>}, {transform_indices = @transform_1, window_bounds = array<i64: 256, 64>}, {pipeline_mode = #tpu.pipeline_mode<synchronous>, transform_indices = @transform_2, window_bounds = array<i64: 8, 256>}, {pipeline_mode = #tpu.pipeline_mode<synchronous>, transform_indices = @transform_3, window_bounds = array<i64: 8, 256>}]} {
    %get3A = arith.constant 0 : index
    %get3A_0 = arith.constant 0 : index
    %get3A_1 = vector.load %arg1[%get3A, %get3A_0] : memref<1024x256xbf16, #tpu.memory_space<vmem>>, vector<1024x256xbf16>
    %convert_element_type3A = arith.extf %get3A_1 : vector<1024x256xbf16> to vector<1024x256xf32>
    %get3A_2 = arith.constant 0 : index
    %get3A_3 = arith.constant 0 : index
    %get3A_4 = vector.load %arg2[%get3A_2, %get3A_3] : memref<256x64xf32, #tpu.memory_space<vmem>>, vector<256x64xf32>
    %concatenate3A = tpu.concatenate %get3A_4, %get3A_4, %get3A_4, %get3A_4 in 1 : vector<256x64xf32>, vector<256x64xf32>, vector<256x64xf32>, vector<256x64xf32> -> vector<256x256xf32>
    %broadcast_in_dim3A = vector.shape_cast %concatenate3A : vector<256x256xf32> to vector<256x1x256xf32>
    %broadcast_in_dim3A_5 = vector.shape_cast %broadcast_in_dim3A : vector<256x1x256xf32> to vector<256x1x256xf32>
    %broadcast_in_dim3A_6 = vector.broadcast %broadcast_in_dim3A_5 : vector<256x1x256xf32> to vector<256x4x256xf32>
    %reshape3A = vector.shape_cast %broadcast_in_dim3A_6 : vector<256x4x256xf32> to vector<1024x256xf32>
    %add3A = arith.addf %convert_element_type3A, %reshape3A : vector<1024x256xf32>
    %reshape3A_7 = vector.shape_cast %add3A : vector<1024x256xf32> to vector<8x128x256xf32>
    %reduce_sum3A = arith.constant dense<0.000000e+00> : vector<8x256xf32>
    %reduce_sum3A_8 = vector.multi_reduction <add>, %reshape3A_7, %reduce_sum3A [1] : vector<8x128x256xf32> to vector<8x256xf32>
    %mul3A = arith.mulf %add3A, %add3A : vector<1024x256xf32>
    %reshape3A_9 = vector.shape_cast %mul3A : vector<1024x256xf32> to vector<8x128x256xf32>
    %reduce_sum3A_10 = arith.constant dense<0.000000e+00> : vector<8x256xf32>
    %reduce_sum3A_11 = vector.multi_reduction <add>, %reshape3A_9, %reduce_sum3A_10 [1] : vector<8x128x256xf32> to vector<8x256xf32>
    %eq3A = arith.constant 0 : i32
    %eq3A_12 = arith.cmpi eq, %arg0, %eq3A : i32
    %convert_element_type3A_13 = arith.extui %eq3A_12 : i1 to i32
    %cond3A = arith.constant 0 : i32
    %cond3A_14 = arith.cmpi ne, %convert_element_type3A_13, %cond3A : i32
    scf.if %cond3A_14 {
      %broadcast_in_dim3A_28 = arith.constant 0.000000e+00 : f32
      %broadcast_in_dim3A_29 = vector.broadcast %broadcast_in_dim3A_28 : f32 to vector<8x256xf32>
      %swap3A_30 = arith.constant 0 : index
      %swap3A_31 = arith.constant 0 : index
      %swap3A_32 = vector.load %arg3[%swap3A_30, %swap3A_31] : memref<8x256xf32, #tpu.memory_space<vmem>>, vector<8x256xf32>
      tpu.vector_store %arg3[%swap3A_30, %swap3A_31], %broadcast_in_dim3A_29 {strides = array<i32>} : memref<8x256xf32, #tpu.memory_space<vmem>>, vector<8x256xf32>,
      %broadcast_in_dim3A_33 = arith.constant 0.000000e+00 : f32
      %broadcast_in_dim3A_34 = vector.broadcast %broadcast_in_dim3A_33 : f32 to vector<8x256xf32>
      %swap3A_35 = arith.constant 0 : index
      %swap3A_36 = arith.constant 0 : index
      %swap3A_37 = vector.load %arg4[%swap3A_35, %swap3A_36] : memref<8x256xf32, #tpu.memory_space<vmem>>, vector<8x256xf32>
      tpu.vector_store %arg4[%swap3A_35, %swap3A_36], %broadcast_in_dim3A_34 {strides = array<i32>} : memref<8x256xf32, #tpu.memory_space<vmem>>, vector<8x256xf32>,
    } else {
    }
    %get3A_15 = arith.constant 0 : index
    %get3A_16 = arith.constant 0 : index
    %get3A_17 = vector.load %arg3[%get3A_15, %get3A_16] : memref<8x256xf32, #tpu.memory_space<vmem>>, vector<8x256xf32>
    %add3A_18 = arith.addf %get3A_17, %reduce_sum3A_8 : vector<8x256xf32>
    %swap3A = arith.constant 0 : index
    %swap3A_19 = arith.constant 0 : index
    %swap3A_20 = vector.load %arg3[%swap3A, %swap3A_19] : memref<8x256xf32, #tpu.memory_space<vmem>>, vector<8x256xf32>
    tpu.vector_store %arg3[%swap3A, %swap3A_19], %add3A_18 {strides = array<i32>} : memref<8x256xf32, #tpu.memory_space<vmem>>, vector<8x256xf32>,
    %get3A_21 = arith.constant 0 : index
    %get3A_22 = arith.constant 0 : index
    %get3A_23 = vector.load %arg4[%get3A_21, %get3A_22] : memref<8x256xf32, #tpu.memory_space<vmem>>, vector<8x256xf32>
    %add3A_24 = arith.addf %get3A_23, %reduce_sum3A_11 : vector<8x256xf32>
    %swap3A_25 = arith.constant 0 : index
    %swap3A_26 = arith.constant 0 : index
    %swap3A_27 = vector.load %arg4[%swap3A_25, %swap3A_26] : memref<8x256xf32, #tpu.memory_space<vmem>>, vector<8x256xf32>
    tpu.vector_store %arg4[%swap3A_25, %swap3A_26], %add3A_24 {strides = array<i32>} : memref<8x256xf32, #tpu.memory_space<vmem>>, vector<8x256xf32>,
    return
  }
  func.func @transform_0(%arg0: i32) -> (i32, i32) {
    %c0_i32 = arith.constant 0 : i32
    %c0_i32_0 = arith.constant 0 : i32
    return %arg0, %c0_i32 : i32, i32
  }
  func.func @transform_1(%arg0: i32) -> (i32, i32) {
    %c0_i32 = arith.constant 0 : i32
    %c0_i32_0 = arith.constant 0 : i32
    return %arg0, %c0_i32 : i32, i32
  }
  func.func @transform_2(%arg0: i32) -> (i32, i32) {
    %c0_i32 = arith.constant 0 : i32
    %c0_i32_0 = arith.constant 0 : i32
    %c0_i32_1 = arith.constant 0 : i32
    return %c0_i32, %c0_i32_0 : i32, i32
  }
  func.func @transform_3(%arg0: i32) -> (i32, i32) {
    %c0_i32 = arith.constant 0 : i32
    %c0_i32_0 = arith.constant 0 : i32
    %c0_i32_1 = arith.constant 0 : i32
    return %c0_i32, %c0_i32_0 : i32, i32
  }
}

module attributes {stable_mosaic.version = 14 : i64} {
  func.func @_pass_b_body(%arg0: i32, %arg1: memref<1024x256xbf16, #tpu.memory_space<vmem>>, %arg2: memref<256x64xf32, #tpu.memory_space<vmem>>, %arg3: memref<2x256xf32, #tpu.memory_space<vmem>>, %arg4: memref<8x256xf32, #tpu.memory_space<vmem>>, %arg5: memref<256x256xf32, #tpu.memory_space<vmem>>) attributes {dimension_semantics = [#tpu.dimension_semantics<arbitrary>], iteration_bounds = array<i64: 64>, scalar_prefetch = 0 : i64, scratch_operands = 0 : i64, tpu.core_type = #tpu.core_type<tc>, window_params = [{transform_indices = @transform_0, window_bounds = array<i64: 1024, 256>}, {transform_indices = @transform_1, window_bounds = array<i64: 256, 64>}, {pipeline_mode = #tpu.pipeline_mode<synchronous>, transform_indices = @transform_2, window_bounds = array<i64: 2, 256>}, {pipeline_mode = #tpu.pipeline_mode<synchronous>, transform_indices = @transform_3, window_bounds = array<i64: 8, 256>}, {pipeline_mode = #tpu.pipeline_mode<synchronous>, transform_indices = @transform_4, window_bounds = array<i64: 256, 256>}]} {
    %get3A = arith.constant 0 : index
    %get3A_0 = arith.constant 0 : index
    %get3A_1 = vector.load %arg1[%get3A, %get3A_0] : memref<1024x256xbf16, #tpu.memory_space<vmem>>, vector<1024x256xbf16>
    %convert_element_type3A = arith.extf %get3A_1 : vector<1024x256xbf16> to vector<1024x256xf32>
    %get3A_2 = arith.constant 0 : index
    %get3A_3 = arith.constant 0 : index
    %get3A_4 = vector.load %arg2[%get3A_2, %get3A_3] : memref<256x64xf32, #tpu.memory_space<vmem>>, vector<256x64xf32>
    %concatenate3A = tpu.concatenate %get3A_4, %get3A_4, %get3A_4, %get3A_4 in 1 : vector<256x64xf32>, vector<256x64xf32>, vector<256x64xf32>, vector<256x64xf32> -> vector<256x256xf32>
    %broadcast_in_dim3A = vector.shape_cast %concatenate3A : vector<256x256xf32> to vector<256x1x256xf32>
    %broadcast_in_dim3A_5 = vector.shape_cast %broadcast_in_dim3A : vector<256x1x256xf32> to vector<256x1x256xf32>
    %broadcast_in_dim3A_6 = vector.broadcast %broadcast_in_dim3A_5 : vector<256x1x256xf32> to vector<256x4x256xf32>
    %reshape3A = vector.shape_cast %broadcast_in_dim3A_6 : vector<256x4x256xf32> to vector<1024x256xf32>
    %get3A_7 = arith.constant 0 : index
    %get3A_8 = arith.constant 0 : index
    %get3A_9 = vector.load %arg3[%get3A_7, %get3A_8] : memref<2x256xf32, #tpu.memory_space<vmem>>, vector<1x256xf32>
    %get3A_10 = arith.constant 1 : index
    %get3A_11 = arith.constant 0 : index
    %get3A_12 = vector.load %arg3[%get3A_10, %get3A_11] : memref<2x256xf32, #tpu.memory_space<vmem>>, vector<1x256xf32>
    %add3A = arith.addf %convert_element_type3A, %reshape3A : vector<1024x256xf32>
    %mul3A = vector.broadcast %get3A_9 : vector<1x256xf32> to vector<1024x256xf32>
    %mul3A_13 = arith.mulf %mul3A, %add3A : vector<1024x256xf32>
    %add3A_14 = vector.broadcast %get3A_12 : vector<1x256xf32> to vector<1024x256xf32>
    %add3A_15 = arith.addf %mul3A_13, %add3A_14 : vector<1024x256xf32>
    %max3A = arith.constant 0.000000e+00 : f32
    %max3A_16 = vector.broadcast %max3A : f32 to vector<1024x256xf32>
    %max3A_17 = arith.maximumf %add3A_15, %max3A_16 : vector<1024x256xf32>
    %reshape3A_18 = vector.shape_cast %max3A_17 : vector<1024x256xf32> to vector<8x128x256xf32>
    %reduce_sum3A = arith.constant dense<0.000000e+00> : vector<8x256xf32>
    %reduce_sum3A_19 = vector.multi_reduction <add>, %reshape3A_18, %reduce_sum3A [1] : vector<8x128x256xf32> to vector<8x256xf32>
    %dot_general3A = arith.constant dense<0.000000e+00> : vector<256x256xf32>
    %dot_general3A_20 = tpu.matmul %max3A_17, %max3A_17, %dot_general3A {dimension_numbers = #tpu.dot_dimension_numbers<[0], [0], [1], [1], [0, 1, 1, 1], [], []>, transpose_lhs_hint = false} : vector<1024x256xf32>, vector<1024x256xf32>, vector<256x256xf32> -> vector<256x256xf32>
    %eq3A = arith.constant 0 : i32
    %eq3A_21 = arith.cmpi eq, %arg0, %eq3A : i32
    %convert_element_type3A_22 = arith.extui %eq3A_21 : i1 to i32
    %cond3A = arith.constant 0 : i32
    %cond3A_23 = arith.cmpi ne, %convert_element_type3A_22, %cond3A : i32
    scf.if %cond3A_23 {
      %broadcast_in_dim3A_37 = arith.constant 0.000000e+00 : f32
      %broadcast_in_dim3A_38 = vector.broadcast %broadcast_in_dim3A_37 : f32 to vector<8x256xf32>
      %swap3A_39 = arith.constant 0 : index
      %swap3A_40 = arith.constant 0 : index
      %swap3A_41 = vector.load %arg4[%swap3A_39, %swap3A_40] : memref<8x256xf32, #tpu.memory_space<vmem>>, vector<8x256xf32>
      tpu.vector_store %arg4[%swap3A_39, %swap3A_40], %broadcast_in_dim3A_38 {strides = array<i32>} : memref<8x256xf32, #tpu.memory_space<vmem>>, vector<8x256xf32>,
      %broadcast_in_dim3A_42 = arith.constant 0.000000e+00 : f32
      %broadcast_in_dim3A_43 = vector.broadcast %broadcast_in_dim3A_42 : f32 to vector<256x256xf32>
      %swap3A_44 = arith.constant 0 : index
      %swap3A_45 = arith.constant 0 : index
      %swap3A_46 = vector.load %arg5[%swap3A_44, %swap3A_45] : memref<256x256xf32, #tpu.memory_space<vmem>>, vector<256x256xf32>
      tpu.vector_store %arg5[%swap3A_44, %swap3A_45], %broadcast_in_dim3A_43 {strides = array<i32>} : memref<256x256xf32, #tpu.memory_space<vmem>>, vector<256x256xf32>,
    } else {
    }
    %get3A_24 = arith.constant 0 : index
    %get3A_25 = arith.constant 0 : index
    %get3A_26 = vector.load %arg4[%get3A_24, %get3A_25] : memref<8x256xf32, #tpu.memory_space<vmem>>, vector<8x256xf32>
    %add3A_27 = arith.addf %get3A_26, %reduce_sum3A_19 : vector<8x256xf32>
    %swap3A = arith.constant 0 : index
    %swap3A_28 = arith.constant 0 : index
    %swap3A_29 = vector.load %arg4[%swap3A, %swap3A_28] : memref<8x256xf32, #tpu.memory_space<vmem>>, vector<8x256xf32>
    tpu.vector_store %arg4[%swap3A, %swap3A_28], %add3A_27 {strides = array<i32>} : memref<8x256xf32, #tpu.memory_space<vmem>>, vector<8x256xf32>,
    %get3A_30 = arith.constant 0 : index
    %get3A_31 = arith.constant 0 : index
    %get3A_32 = vector.load %arg5[%get3A_30, %get3A_31] : memref<256x256xf32, #tpu.memory_space<vmem>>, vector<256x256xf32>
    %add3A_33 = arith.addf %get3A_32, %dot_general3A_20 : vector<256x256xf32>
    %swap3A_34 = arith.constant 0 : index
    %swap3A_35 = arith.constant 0 : index
    %swap3A_36 = vector.load %arg5[%swap3A_34, %swap3A_35] : memref<256x256xf32, #tpu.memory_space<vmem>>, vector<256x256xf32>
    tpu.vector_store %arg5[%swap3A_34, %swap3A_35], %add3A_33 {strides = array<i32>} : memref<256x256xf32, #tpu.memory_space<vmem>>, vector<256x256xf32>,
    return
  }
  func.func @transform_0(%arg0: i32) -> (i32, i32) {
    %c0_i32 = arith.constant 0 : i32
    %c0_i32_0 = arith.constant 0 : i32
    return %arg0, %c0_i32 : i32, i32
  }
  func.func @transform_1(%arg0: i32) -> (i32, i32) {
    %c0_i32 = arith.constant 0 : i32
    %c0_i32_0 = arith.constant 0 : i32
    return %arg0, %c0_i32 : i32, i32
  }
  func.func @transform_2(%arg0: i32) -> (i32, i32) {
    %c0_i32 = arith.constant 0 : i32
    %c0_i32_0 = arith.constant 0 : i32
    %c0_i32_1 = arith.constant 0 : i32
    return %c0_i32, %c0_i32_0 : i32, i32
  }
  func.func @transform_3(%arg0: i32) -> (i32, i32) {
    %c0_i32 = arith.constant 0 : i32
    %c0_i32_0 = arith.constant 0 : i32
    %c0_i32_1 = arith.constant 0 : i32
    return %c0_i32, %c0_i32_0 : i32, i32
  }
  func.func @transform_4(%arg0: i32) -> (i32, i32) {
    %c0_i32 = arith.constant 0 : i32
    %c0_i32_0 = arith.constant 0 : i32
    %c0_i32_1 = arith.constant 0 : i32
    return %c0_i32, %c0_i32_0 : i32, i32
  }
}

module attributes {stable_mosaic.version = 14 : i64} {
  func.func @_pass_c_body(%arg0: i32, %arg1: memref<1024x256xbf16, #tpu.memory_space<vmem>>, %arg2: memref<256x64xf32, #tpu.memory_space<vmem>>, %arg3: memref<4x256xf32, #tpu.memory_space<vmem>>, %arg4: memref<256x256xf32, #tpu.memory_space<vmem>>, %arg5: memref<1x64x256xf32, #tpu.memory_space<vmem>>, %arg6: memref<1x64x256xf32, #tpu.memory_space<vmem>>) attributes {dimension_semantics = [#tpu.dimension_semantics<arbitrary>], iteration_bounds = array<i64: 64>, scalar_prefetch = 0 : i64, scratch_operands = 0 : i64, tpu.core_type = #tpu.core_type<tc>, window_params = [{transform_indices = @transform_0, window_bounds = array<i64: 1024, 256>}, {transform_indices = @transform_1, window_bounds = array<i64: 256, 64>}, {pipeline_mode = #tpu.pipeline_mode<synchronous>, transform_indices = @transform_2, window_bounds = array<i64: 4, 256>}, {pipeline_mode = #tpu.pipeline_mode<synchronous>, transform_indices = @transform_3, window_bounds = array<i64: 256, 256>}, {transform_indices = @transform_4, window_bounds = array<i64: 1, 64, 256>}, {transform_indices = @transform_5, window_bounds = array<i64: 1, 64, 256>}]} {
    %get3A = arith.constant 0 : index
    %get3A_0 = arith.constant 0 : index
    %get3A_1 = vector.load %arg1[%get3A, %get3A_0] : memref<1024x256xbf16, #tpu.memory_space<vmem>>, vector<1024x256xbf16>
    %convert_element_type3A = arith.extf %get3A_1 : vector<1024x256xbf16> to vector<1024x256xf32>
    %get3A_2 = arith.constant 0 : index
    %get3A_3 = arith.constant 0 : index
    %get3A_4 = vector.load %arg2[%get3A_2, %get3A_3] : memref<256x64xf32, #tpu.memory_space<vmem>>, vector<256x64xf32>
    %concatenate3A = tpu.concatenate %get3A_4, %get3A_4, %get3A_4, %get3A_4 in 1 : vector<256x64xf32>, vector<256x64xf32>, vector<256x64xf32>, vector<256x64xf32> -> vector<256x256xf32>
    %broadcast_in_dim3A = vector.shape_cast %concatenate3A : vector<256x256xf32> to vector<256x1x256xf32>
    %broadcast_in_dim3A_5 = vector.shape_cast %broadcast_in_dim3A : vector<256x1x256xf32> to vector<256x1x256xf32>
    %broadcast_in_dim3A_6 = vector.broadcast %broadcast_in_dim3A_5 : vector<256x1x256xf32> to vector<256x4x256xf32>
    %reshape3A = vector.shape_cast %broadcast_in_dim3A_6 : vector<256x4x256xf32> to vector<1024x256xf32>
    %get3A_7 = arith.constant 0 : index
    %get3A_8 = arith.constant 0 : index
    %get3A_9 = vector.load %arg3[%get3A_7, %get3A_8] : memref<4x256xf32, #tpu.memory_space<vmem>>, vector<1x256xf32>
    %get3A_10 = arith.constant 1 : index
    %get3A_11 = arith.constant 0 : index
    %get3A_12 = vector.load %arg3[%get3A_10, %get3A_11] : memref<4x256xf32, #tpu.memory_space<vmem>>, vector<1x256xf32>
    %get3A_13 = arith.constant 2 : index
    %get3A_14 = arith.constant 0 : index
    %get3A_15 = vector.load %arg3[%get3A_13, %get3A_14] : memref<4x256xf32, #tpu.memory_space<vmem>>, vector<1x256xf32>
    %add3A = arith.addf %convert_element_type3A, %reshape3A : vector<1024x256xf32>
    %mul3A = vector.broadcast %get3A_9 : vector<1x256xf32> to vector<1024x256xf32>
    %mul3A_16 = arith.mulf %mul3A, %add3A : vector<1024x256xf32>
    %add3A_17 = vector.broadcast %get3A_12 : vector<1x256xf32> to vector<1024x256xf32>
    %add3A_18 = arith.addf %mul3A_16, %add3A_17 : vector<1024x256xf32>
    %max3A = arith.constant 0.000000e+00 : f32
    %max3A_19 = vector.broadcast %max3A : f32 to vector<1024x256xf32>
    %max3A_20 = arith.maximumf %add3A_18, %max3A_19 : vector<1024x256xf32>
    %get3A_21 = arith.constant 0 : index
    %get3A_22 = arith.constant 0 : index
    %get3A_23 = vector.load %arg4[%get3A_21, %get3A_22] : memref<256x256xf32, #tpu.memory_space<vmem>>, vector<256x256xf32>
    %dot_general3A = arith.constant dense<0.000000e+00> : vector<1024x256xf32>
    %dot_general3A_24 = tpu.matmul %max3A_20, %get3A_23, %dot_general3A {dimension_numbers = #tpu.dot_dimension_numbers<[1], [0], [0], [1], [0, 0, 1, 1], [], []>, transpose_lhs_hint = false} : vector<1024x256xf32>, vector<256x256xf32>, vector<1024x256xf32> -> vector<1024x256xf32>
    %add3A_25 = vector.broadcast %get3A_15 : vector<1x256xf32> to vector<1024x256xf32>
    %add3A_26 = arith.addf %dot_general3A_24, %add3A_25 : vector<1024x256xf32>
    %max3A_27 = arith.constant 0.000000e+00 : f32
    %max3A_28 = vector.broadcast %max3A_27 : f32 to vector<1024x256xf32>
    %max3A_29 = arith.maximumf %add3A_26, %max3A_28 : vector<1024x256xf32>
    %reshape3A_30 = vector.shape_cast %max3A_29 : vector<1024x256xf32> to vector<256x4x256xf32>
    %reduce_sum3A = arith.constant dense<0.000000e+00> : vector<256x256xf32>
    %reduce_sum3A_31 = vector.multi_reduction <add>, %reshape3A_30, %reduce_sum3A [1] : vector<256x4x256xf32> to vector<256x256xf32>
    %slice3A = vector.extract_strided_slice %reduce_sum3A_31 {offsets = [0, 0], sizes = [256, 64], strides = [1, 1]} : vector<256x256xf32> to vector<256x64xf32>
    %slice3A_32 = vector.extract_strided_slice %reduce_sum3A_31 {offsets = [0, 64], sizes = [256, 64], strides = [1, 1]} : vector<256x256xf32> to vector<256x64xf32>
    %add3A_33 = arith.addf %slice3A, %slice3A_32 : vector<256x64xf32>
    %slice3A_34 = vector.extract_strided_slice %reduce_sum3A_31 {offsets = [0, 128], sizes = [256, 64], strides = [1, 1]} : vector<256x256xf32> to vector<256x64xf32>
    %add3A_35 = arith.addf %add3A_33, %slice3A_34 : vector<256x64xf32>
    %slice3A_36 = vector.extract_strided_slice %reduce_sum3A_31 {offsets = [0, 192], sizes = [256, 64], strides = [1, 1]} : vector<256x256xf32> to vector<256x64xf32>
    %add3A_37 = arith.addf %add3A_35, %slice3A_36 : vector<256x64xf32>
    %get3A_38 = arith.constant 0 : index
    %get3A_39 = arith.constant 0 : index
    %get3A_40 = arith.constant 0 : index
    %get3A_41 = vector.load %arg5[%get3A_38, %get3A_39, %get3A_40] : memref<1x64x256xf32, #tpu.memory_space<vmem>>, vector<1x64x256xf32>
    %get3A_42 = vector.shape_cast %get3A_41 : vector<1x64x256xf32> to vector<64x256xf32>
    %transpose3A = tpu.transpose %add3A_37, [1, 0] : vector<256x64xf32> -> vector<64x256xf32>
    %mul3A_43 = arith.constant 6.250000e-02 : f32
    %mul3A_44 = vector.broadcast %mul3A_43 : f32 to vector<64x256xf32>
    %mul3A_45 = arith.mulf %transpose3A, %mul3A_44 : vector<64x256xf32>
    %add3A_46 = arith.addf %get3A_42, %mul3A_45 : vector<64x256xf32>
    %max3A_47 = arith.constant 0.000000e+00 : f32
    %max3A_48 = vector.broadcast %max3A_47 : f32 to vector<64x256xf32>
    %max3A_49 = arith.maximumf %add3A_46, %max3A_48 : vector<64x256xf32>
    %swap3A = arith.constant 0 : index
    %swap3A_50 = arith.constant 0 : index
    %swap3A_51 = arith.constant 0 : index
    %swap3A_52 = vector.load %arg6[%swap3A, %swap3A_50, %swap3A_51] : memref<1x64x256xf32, #tpu.memory_space<vmem>>, vector<1x64x256xf32>
    %swap3A_53 = vector.shape_cast %swap3A_52 : vector<1x64x256xf32> to vector<64x256xf32>
    %swap3A_54 = vector.shape_cast %max3A_49 : vector<64x256xf32> to vector<1x64x256xf32>
    tpu.vector_store %arg6[%swap3A, %swap3A_50, %swap3A_51], %swap3A_54 {strides = array<i32>} : memref<1x64x256xf32, #tpu.memory_space<vmem>>, vector<1x64x256xf32>,
    return
  }
  func.func @transform_0(%arg0: i32) -> (i32, i32) {
    %c0_i32 = arith.constant 0 : i32
    %c0_i32_0 = arith.constant 0 : i32
    return %arg0, %c0_i32 : i32, i32
  }
  func.func @transform_1(%arg0: i32) -> (i32, i32) {
    %c0_i32 = arith.constant 0 : i32
    %c0_i32_0 = arith.constant 0 : i32
    return %arg0, %c0_i32 : i32, i32
  }
  func.func @transform_2(%arg0: i32) -> (i32, i32) {
    %c0_i32 = arith.constant 0 : i32
    %c0_i32_0 = arith.constant 0 : i32
    %c0_i32_1 = arith.constant 0 : i32
    return %c0_i32, %c0_i32_0 : i32, i32
  }
  func.func @transform_3(%arg0: i32) -> (i32, i32) {
    %c0_i32 = arith.constant 0 : i32
    %c0_i32_0 = arith.constant 0 : i32
    %c0_i32_1 = arith.constant 0 : i32
    return %c0_i32, %c0_i32_0 : i32, i32
  }
  func.func @transform_4(%arg0: i32) -> (i32, i32, i32) {
    %jit3A = arith.constant 8 : i32
    %div3A = arith.divsi %arg0, %jit3A : i32
    %sign3A = arith.constant 0 : i32
    %sign3A_0 = arith.cmpi sgt, %arg0, %sign3A : i32
    %sign3A_1 = arith.extui %sign3A_0 : i1 to i32
    %sign3A_2 = arith.constant 0 : i32
    %sign3A_3 = arith.cmpi slt, %arg0, %sign3A_2 : i32
    %sign3A_4 = arith.extui %sign3A_3 : i1 to i32
    %sign3A_5 = arith.subi %sign3A_1, %sign3A_4 : i32
    %sign3A_6 = arith.constant 0 : i32
    %sign3A_7 = arith.cmpi sgt, %jit3A, %sign3A_6 : i32
    %sign3A_8 = arith.extui %sign3A_7 : i1 to i32
    %sign3A_9 = arith.constant 0 : i32
    %sign3A_10 = arith.cmpi slt, %jit3A, %sign3A_9 : i32
    %sign3A_11 = arith.extui %sign3A_10 : i1 to i32
    %sign3A_12 = arith.subi %sign3A_8, %sign3A_11 : i32
    %ne3A = arith.cmpi ne, %sign3A_5, %sign3A_12 : i32
    %rem3A = arith.remsi %arg0, %jit3A : i32
    %ne3A_13 = arith.constant 0 : i32
    %ne3A_14 = arith.cmpi ne, %rem3A, %ne3A_13 : i32
    %and3A = arith.andi %ne3A, %ne3A_14 : i1
    %sub3A = arith.constant 1 : i32
    %sub3A_15 = arith.subi %div3A, %sub3A : i32
    %select_n3A = arith.select %and3A, %sub3A_15, %div3A : i32
    %jit3A_16 = arith.constant 8 : i32
    %eq3A = arith.constant 0 : i32
    %eq3A_17 = arith.cmpi eq, %jit3A_16, %eq3A : i32
    %jit3A_18 = arith.constant 1 : i32
    %select_n3A_19 = arith.select %eq3A_17, %jit3A_18, %jit3A_16 : i32
    %rem3A_20 = arith.remsi %arg0, %select_n3A_19 : i32
    %ne3A_21 = arith.constant 0 : i32
    %ne3A_22 = arith.cmpi ne, %rem3A_20, %ne3A_21 : i32
    %lt3A = arith.constant 0 : i32
    %lt3A_23 = arith.cmpi slt, %rem3A_20, %lt3A : i32
    %lt3A_24 = arith.constant 0 : i32
    %lt3A_25 = arith.cmpi slt, %select_n3A_19, %lt3A_24 : i32
    %ne3A_26 = arith.xori %lt3A_23, %lt3A_25 : i1
    %and3A_27 = arith.andi %ne3A_26, %ne3A_22 : i1
    %add3A = arith.addi %rem3A_20, %select_n3A_19 : i32
    %select_n3A_28 = arith.select %and3A_27, %add3A, %rem3A_20 : i32
    %c0_i32 = arith.constant 0 : i32
    %c0_i32_29 = arith.constant 0 : i32
    return %select_n3A, %c0_i32, %select_n3A_28 : i32, i32, i32
  }
  func.func @transform_5(%arg0: i32) -> (i32, i32, i32) {
    %jit3A = arith.constant 8 : i32
    %div3A = arith.divsi %arg0, %jit3A : i32
    %sign3A = arith.constant 0 : i32
    %sign3A_0 = arith.cmpi sgt, %arg0, %sign3A : i32
    %sign3A_1 = arith.extui %sign3A_0 : i1 to i32
    %sign3A_2 = arith.constant 0 : i32
    %sign3A_3 = arith.cmpi slt, %arg0, %sign3A_2 : i32
    %sign3A_4 = arith.extui %sign3A_3 : i1 to i32
    %sign3A_5 = arith.subi %sign3A_1, %sign3A_4 : i32
    %sign3A_6 = arith.constant 0 : i32
    %sign3A_7 = arith.cmpi sgt, %jit3A, %sign3A_6 : i32
    %sign3A_8 = arith.extui %sign3A_7 : i1 to i32
    %sign3A_9 = arith.constant 0 : i32
    %sign3A_10 = arith.cmpi slt, %jit3A, %sign3A_9 : i32
    %sign3A_11 = arith.extui %sign3A_10 : i1 to i32
    %sign3A_12 = arith.subi %sign3A_8, %sign3A_11 : i32
    %ne3A = arith.cmpi ne, %sign3A_5, %sign3A_12 : i32
    %rem3A = arith.remsi %arg0, %jit3A : i32
    %ne3A_13 = arith.constant 0 : i32
    %ne3A_14 = arith.cmpi ne, %rem3A, %ne3A_13 : i32
    %and3A = arith.andi %ne3A, %ne3A_14 : i1
    %sub3A = arith.constant 1 : i32
    %sub3A_15 = arith.subi %div3A, %sub3A : i32
    %select_n3A = arith.select %and3A, %sub3A_15, %div3A : i32
    %jit3A_16 = arith.constant 8 : i32
    %eq3A = arith.constant 0 : i32
    %eq3A_17 = arith.cmpi eq, %jit3A_16, %eq3A : i32
    %jit3A_18 = arith.constant 1 : i32
    %select_n3A_19 = arith.select %eq3A_17, %jit3A_18, %jit3A_16 : i32
    %rem3A_20 = arith.remsi %arg0, %select_n3A_19 : i32
    %ne3A_21 = arith.constant 0 : i32
    %ne3A_22 = arith.cmpi ne, %rem3A_20, %ne3A_21 : i32
    %lt3A = arith.constant 0 : i32
    %lt3A_23 = arith.cmpi slt, %rem3A_20, %lt3A : i32
    %lt3A_24 = arith.constant 0 : i32
    %lt3A_25 = arith.cmpi slt, %select_n3A_19, %lt3A_24 : i32
    %ne3A_26 = arith.xori %lt3A_23, %lt3A_25 : i1
    %and3A_27 = arith.andi %ne3A_26, %ne3A_22 : i1
    %add3A = arith.addi %rem3A_20, %select_n3A_19 : i32
    %select_n3A_28 = arith.select %and3A_27, %add3A, %rem3A_20 : i32
    %c0_i32 = arith.constant 0 : i32
    %c0_i32_29 = arith.constant 0 : i32
    return %select_n3A, %c0_i32, %select_n3A_28 : i32, i32, i32
  }
}

</mosaic_0001>

<sc_bundles>
// kernel: kernel.7.cloned.1.call-start
scs
__scs_entry_jumppad:
0x0: {  	(pc) =	sbr.rel $0x88, $3  }
0x1: {  	(tag) =	ssettag $0x0;
	lr =	simm.s32 $0x1  }
0x2: {  	[smem:$0x3F99] =	sst lr;
	_ =	strace $0xD0000000  }
0x3: {  	_ = 	snop  }
0x4: {  	_ = 	snop  }
0x5: {  	_ = 	snop  }
0x6: {  	_ = 	snop  }
0x7: {  	_ = 	snop  }
__scs_overlays_trampoline_lowered:
0x8: {  	[smem:$0x3FA8] =	sst s0  }
0x9: {  	[smem:$0x3FA9] =	sst s1  }
0xa: {  	[smem:$0x3FAA] =	sst s2  }
0xb: {  	[smem:$0x3FAB] =	sst s3  }
0xc: {  	[smem:$0x3FAC] =	sst s4  }
0xd: {  	[smem:$0x3FAD] =	sst s5  }
0xe: {  	[smem:$0x3FAE] =	sst s6  }
0xf: {  	[smem:$0x3FAF] =	sst s7  }
0x10: {  	[smem:$0x3FB0] =	sst s8  }
0x11: {  	[smem:$0x3FB1] =	sst s9;
	s0 =	simm.s32 @!p0 $0x0  }
0x12: {  	s1 =	sld [smem:$0x3F97];
	s0 =	simm.s32 @p0 $0x1  }
0x13: {  	[smem:$0x3FB2] =	sst s0;
	s0 =	simm.s32 @!p1 $0x0  }
0x14: {  	s2 =	sld [smem:$0x3F96];
	s0 =	simm.s32 @p1 $0x1  }
0x15: {  	[smem:$0x3FB3] =	sst s0;
	s0 =	simm.s32 @!p2 $0x0  }
0x16: {  	s3 =	sld [smem:$0x3FDB];
	s0 =	simm.s32 @p2 $0x1  }
0x17: {  	s4 =	simm.s32 $0x1BF5;
	[smem:$0x3FB5] =	sst s0  }
0x18: {  	s0 =	sld [smem:$0x3F98];
	_ =	swait.ge [sflag:s4], $0x0  }
0x19: {  	s7 =	sld [smem:$0x3F99]  }
0x1a: {  	s8 =	sadd.s32 $0xFFFFE003, lr  }
0x1b: {  	s9 =	sadd.s32 $0xFFFFFEF7, lr;
	s5 =	simm.s32 $0xFFFFFFFF;
	p2 =	slt.u32 s8, $0xFFFFF086  }
0x1c: {  	p1 =	slt.u32 s9, $0xF7A;
	s5 =	simm.s32 @!p2 $0x0  }
0x1d: {  	s5 =	simm.s32 @p1 $0x1;
	p0 =	seq.s32 s7, s2  }
0x1e: {  	s7 =	smul.u32 @!p0 $0xF7A, s2;
	p2 =	seq.s32 @!p0 s5, $0x0  }
0x1f: {  	s9 =	smul.u32 $0xF7A, s1;
	s8 =	simm.s32 @!p0 $0x1BF5;
	p2 =	por !p2, p0  }
0x20: {  	[sflag:s8] =	ssyncset.s32 @!p0 $0xFFFFF086;
	s6 =	sadd.s32 @!p0 s3, s7;
	s7 =	simm.s32 @!p0 $0x108  }
0x21: {  	s3 =	sadd.s32 s3, s9;
	s6 =	sadd.s32 @!p0 $0x88, s6;
	s7 =	simm.s32 @p2 $0x1082  }
0x22: {  	[simem:s7], [sflag:s8] =	dma.local @!p0 [hbm:s6], $0xF7A  }
0x23: {  	s9 =	sor.u32 $0xD0000000, s2;
	s6 =	simm.s32 $0x108;
	_ =	swait.ge @!p0 [sflag:s8], $0x0  }
0x24: {  	s3 =	sadd.s32 $0x88, s3;
	s6 =	simm.s32 @!p1 $0x1082;
	[sflag:s4] =	ssyncset.s32 $0xFFFFF086  }
0x25: {  	[simem:s6], [sflag:s4] =	dma.local [hbm:s3], $0xF7A  }
0x26: {  	[smem:$0x3F99] =	sst s1;
	(tag) =	ssettag s2;
	_ =	strace s9  }
0x27: {  	s1 =	sld [smem:$0x3FA9]  }
0x28: {  	s2 =	sld [smem:$0x3FAA]  }
0x29: {  	s4 =	sld [smem:$0x3FAC]  }
0x2a: {  	p0 =	seq.s32 s5, $0x0;
	s5 =	sld [smem:$0x3FAD]  }
0x2b: {  	s6 =	sld [smem:$0x3FAE]  }
0x2c: {  	s7 =	sld [smem:$0x3FAF]  }
0x2d: {  	s3 =	simm.s32 $0x108;
	s8 =	sld [smem:$0x3FB0]  }
0x2e: {  	s3 =	simm.s32 @!p0 $0x1082;
	s9 =	sld [smem:$0x3FB1]  }
0x2f: {  	lr =	sadd.s32 s0, s3;
	s0 =	sld [smem:$0x3FA8]  }
0x30: {  	s3 =	sld [smem:$0x3FAB]  }
0x31: {  	[smem:$0x3FB4] =	sst s10  }
0x32: {  	s10 =	sld [smem:$0x3FB2];
	_ =	sdelay $0x3  }
0x33: {  	p0 =	seq.s32 s10, $0x1;
	s10 =	sld [smem:$0x3FB4];
	_ =	sdelay $0x3  }
0x34: {  	[smem:$0x3FB4] =	sst s10  }
0x35: {  	s10 =	sld [smem:$0x3FB3];
	_ =	sdelay $0x3  }
0x36: {  	p1 =	seq.s32 s10, $0x1;
	s10 =	sld [smem:$0x3FB4];
	_ =	sdelay $0x3  }
0x37: {  	[smem:$0x3FB4] =	sst s10  }
0x38: {  	s10 =	sld [smem:$0x3FB5]  }
0x39: {  	_ = 	snop;
	(pc) =	sbr.ind lr, $3  }
0x3a: {  	_ = 	snop  }
0x3b: {  	_ = 	snop  }
0x3c: {  	p2 =	seq.s32 s10, $0x1;
	s10 =	sld [smem:$0x3FB4]  }
0x3d: {  	_ =	shalt  }
0x3e: {  	_ =	shalt  }
0x3f: {  	_ =	shalt  }
0x40: {  	_ =	shalt  }
0x41: {  	_ =	shalt  }
0x42: {  	_ =	shalt  }
0x43: {  	_ =	shalt  }
0x44: {  	_ =	shalt  }
0x45: {  	_ =	shalt  }
0x46: {  	_ =	shalt  }
0x47: {  	_ =	shalt  }
0x48: {  	_ =	shalt  }
0x49: {  	_ =	shalt  }
0x4a: {  	_ =	shalt  }
0x4b: {  	_ =	shalt  }
0x4c: {  	_ =	shalt  }
0x4d: {  	_ =	shalt  }
0x4e: {  	_ =	shalt  }
0x4f: {  	_ =	shalt  }
0x50: {  	_ =	shalt  }
0x51: {  	_ =	shalt  }
0x52: {  	_ =	shalt  }
0x53: {  	_ =	shalt  }
0x54: {  	_ =	shalt  }
0x55: {  	_ =	shalt  }
0x56: {  	_ =	shalt  }
0x57: {  	_ =	shalt  }
0x58: {  	_ =	shalt  }
0x59: {  	_ =	shalt  }
0x5a: {  	_ =	shalt  }
0x5b: {  	_ =	shalt  }
0x5c: {  	_ =	shalt  }
0x5d: {  	_ =	shalt  }
0x5e: {  	_ =	shalt  }
0x5f: {  	_ =	shalt  }
0x60: {  	_ =	shalt  }
0x61: {  	_ =	shalt  }
0x62: {  	_ =	shalt  }
0x63: {  	_ =	shalt  }
0x64: {  	_ =	shalt  }
0x65: {  	_ =	shalt  }
0x66: {  	_ =	shalt  }
0x67: {  	_ =	shalt  }
0x68: {  	_ =	shalt  }
0x69: {  	_ =	shalt  }
0x6a: {  	_ =	shalt  }
0x6b: {  	_ =	shalt  }
0x6c: {  	_ =	shalt  }
0x6d: {  	_ =	shalt  }
0x6e: {  	_ =	shalt  }
0x6f: {  	_ =	shalt  }
0x70: {  	_ =	shalt  }
0x71: {  	_ =	shalt  }
0x72: {  	_ =	shalt  }
0x73: {  	_ =	shalt  }
0x74: {  	_ =	shalt  }
0x75: {  	_ =	shalt  }
0x76: {  	_ =	shalt  }
0x77: {  	_ =	shalt  }
0x78: {  	_ =	shalt  }
0x79: {  	_ =	shalt  }
0x7a: {  	_ =	shalt  }
0x7b: {  	_ =	shalt  }
0x7c: {  	_ =	shalt  }
0x7d: {  	_ =	shalt  }
0x7e: {  	_ =	shalt  }
0x7f: {  	_ =	shalt  }
0x80: {  	_ =	shalt  }
0x81: {  	_ =	shalt  }
0x82: {  	_ =	shalt  }
0x83: {  	_ =	shalt  }
0x84: {  	_ =	shalt  }
0x85: {  	_ =	shalt  }
0x86: {  	_ =	shalt  }
0x87: {  	_ =	shalt  }
.Lfunc_end0:
.L_simem_size_0:
called_computation_lowered:
.L_overlay_start_0:
0x88: {  	s2 =	sld [smem:$0x3FD9]  }
0x89: {  	s3 =	sld [smem:$0x3FFE];
	_ =	sdelay $0x1  }
0x8a: {  	s1 =	srdreg.scid  }
0x8b: {  	s0 =	sand.u32 $0x1, s1  }
0x8c: {  	s17 =	sshll.u32 s0, $0xA;
	s2 =	sadd.s32 s3, s2  }
0x8d: {  	s2 =	sadd.s32 s2, s17  }
0x8e: {  	[smem:$0x3FC0] =	sst s2  }
0x8f: {  	_ = 	snop  }
0x90: {  	s2 =	sld [smem:$0x3FD0];
	(tm) =	ssettm $0x1  }
0x91: {  	s18 =	sld [smem:$0x3FFB];
	_ =	sdelay $0x3  }
0x92: {  	_ =	strace s18  }
0x93: {  	s3 =	sld [smem:$0x3FFC];
	_ =	sdelay $0x3  }
0x94: {  	_ =	strace s3  }
0x95: {  	s3 =	sld [smem:$0x3FFD];
	_ =	sdelay $0x3  }
0x96: {  	_ =	strace s3  }
0x97: {  	_ =	strace $0x8FFFFFFF  }
0x98: {  	s19 =	sld [smem:$0x3FDB];
	_ =	sdelay $0x1  }
0x99: {  	s4 =	simm.s32 $_scs_section_size  }
0x9a: {  	s5 =	simm.s32 $_size__tile_overlayer_lowered;
	s6 =	simm.s32 $_tile_overlayer_lowered  }
0x9b: {  	s22 =	simm.s32 $0x1BFF;
	s21 =	sshll.u32 s6, $0x1;
	s3 =	sadd.s32 s4, s19  }
0x9c: {  	s7 =	simm.s32 $0x0;
	s20 =	sshll.u32 s5, $0x1;
	s5 =	sadd.s32 s21, s3  }
0x9d: {  	[timem:s7], [sflag:s22] =	dma.local [hbm:s5], s20  }
0x9e: {  	_ =	swait.ge [sflag:s22], s20  }
0x9f: {  	s4 =	ssub.s32 $0x0, s20;
	[sflag:s22] =	ssyncset.done $0x0  }
0xa0: {  	[sflag:s22] =	ssyncadd.s32 s4;
	_ =	sdelay $0x1  }
0xa1: {  	s23 =	simm.s32 $0x1B8B  }
0xa2: {  	_ =	swait.ge [sflag:s23], $0x1  }
0xa3: {  	[sflag:s23] =	ssyncset.done $0x0  }
0xa4: {  	s25 =	simm.s32 $0x1B8E;
	s24 =	sld [smem:$0x3FFE];
	[sflag:s23] =	ssyncadd.s32 $0xFFFFFFFF  }
0xa5: {  	s26 =	simm.s32 $execute0_lowered;
	[smem:$0x3FD2] =	sst s25  }
0xa6: {  	s5 =	sshll.u32 s26, $0x1;
	_ =	strace $0x80000046;
	[dreg:$0x1] =	wrdreg $0xFFFFFFFF  }
0xa7: {  	s28 =	simm.s32 $_size_execute0_lowered;
	s3 =	sadd.s32 s3, s5;
	[dreg:$0x0] =	wrdreg $0x0  }
0xa8: {  	s5 =	sshll.u32 s28, $0x1;
	[dreg:$0x2] =	wrdreg s3  }
0xa9: {  	[dreg:$0x3] =	wrdreg s5  }
0xaa: {  	[dreg:$0x4] =	wrdreg $0xC0  }
0xab: {  	_ =	task [dreg:s7], $0x5FFFF  }
0xac: {  	[dreg:$0x1] =	wrdreg $0xFFFFFFFF  }
0xad: {  	[dreg:$0x0] =	wrdreg $0x60  }
0xae: {  	[dreg:$0x2] =	wrdreg s2  }
0xaf: {  	[dreg:$0x3] =	wrdreg s24  }
0xb0: {  	[dreg:$0x4] =	wrdreg $0x9  }
0xb1: {  	_ =	task.clear_ibuf [dreg:s7], $0x5FFFF;
	_ =	strace $0x90000046  }
0xb2: {  	s29 =	simm.s32 $0x9;
	_ =	strace $0x80000048  }
0xb3: {  	_ =	swait.ge [sflag:s29], $0x1  }
0xb4: {  	[sflag:s29] =	ssyncadd.s32 $0xFFFFFFFF  }
0xb5: {  	_ =	strace $0x90000048  }
0xb6: {  	_ =	sfence  }
0xb7: {  	s30 =	sld [smem:$0x0];
	_ =	sdelay $0x2  }
0xb8: {  	s31 =	sshll.u32 s1, $0xD;
	s1 =	sshrl.u32 s1, $0x2  }
0xb9: {  	s3 =	sand.u32 $0x4000, s31;
	s1 =	sadd.s32 s1, s30  }
0xba: {  	s0 =	sor.u32 s3, s0;
	s1 =	sshll.u32 s1, $0x11  }
0xbb: {  	s0 =	sor.u32 s1, s0  }
0xbc: {  	s0 =	sadd.s32 $0x8F2B, s0  }
0xbd: {  	[sflag:s0] =	ssyncadd.remote.s32 $0x1  }
0xbe: {  	_ =	sfence.sel $0xFFFF  }
0xbf: {  	[dreg:$0x0] =	wrdreg $0xFFFFFFFF;
	(pc) =	sbr.abs _section_cstart, $3  }
0xc0: {  	[dreg:$0x1] =	wrdreg $0xFFFFFFFF  }
0xc1: {  	_ =	task.clear_ibuf [dreg:s7], $0x2FFFF;
	_ =	strace $0x9FFFFFFF  }
0xc2: {  	(tm) =	ssettm $0x7FFFFFFF  }
0xc3: {  	_ =	shalt  }
tec
execute0_lowered:
.L_overlay_start_1:
0x0: {  	(tag) =	ssettag $0x1  }
0x1: {  	s1 =	srdreg.scid  }
0x2: {  	s0 =	stileid.u32;
	s1 =	sand.u32 $0x1, s1  }
0x3: {  	s2 =	rddreg [dreg:$0x0];
	s5 =	sshll.u32 s0, $0xE;
	s6 =	sshll.u32 s1, $0xD  }
0x4: {  	s4 =	rddreg [dreg:$0x1];
	s5 =	sor.u32 s6, s5  }
0x5: {  	s3 =	simm.s32 $0x0;
	s6 =	sshll.u32 s5, $0x2;
	s5 =	sshrl.u32 s5, $0x3  }
0x6: {  	[smem:$0x7FF] =	sst s3;
	s31 =	sadd.s32 s6, s4;
	s4 =	sadd.s32 s4, s5  }
0x7: {  	_ =	strace $0x80000047;
	[dreg:$0x3] =	wrdreg s4;
	s17 =	sadd.s32 $0x8000, s31  }
0x8: {  	s18 =	sadd.s32 $0x8800, s31;
	[dreg:$0x4] =	wrdreg s17  }
0x9: {  	s19 =	sadd.s32 $0x9000, s31;
	[dreg:$0x5] =	wrdreg s18  }
0xa: {  	s20 =	sadd.s32 $0x9800, s31;
	[dreg:$0x6] =	wrdreg s19  }
0xb: {  	s21 =	sadd.s32 $0xA000, s31;
	[dreg:$0x7] =	wrdreg s20  }
0xc: {  	s22 =	sadd.s32 $0xA800, s31;
	[dreg:$0x8] =	wrdreg s21  }
0xd: {  	s23 =	sadd.s32 $0xB000, s31;
	[dreg:$0x9] =	wrdreg s22  }
0xe: {  	[dreg:$0xa] =	wrdreg s23  }
0xf: {  	s24 =	sadd.s32 $0xB800, s31;
	s25 =	rddreg [dreg:$0x3]  }
0x10: {  	s26 =	sadd.s32 $0xC000, s31;
	[dreg:$0xb] =	wrdreg s24  }
0x11: {  	s4 =	simm.s32 $0x3;
	[dreg:$0xc] =	wrdreg s26  }
0x12: {  	[tilespmem:s3], [sflag:$0x3] =	stream.linear.gather [hbm4b:s25+s3], $0x2000, $0x38;
	[tilespmem:$0xA000] =	vst v63  }
0x13: {  	_ =	swait.ge [sflag:s4], $0x2000  }
0x14: {  	[sflag:s4] =	ssyncset.done $0x0  }
0x15: {  	s5 =	simm.s32 $0x200;
	s6 =	simm.s32 $0x2000;
	[sflag:s4] =	ssyncadd.s32 $0xFFFFE000  }
0x16: {  	[tilespmem:s6], [sflag:$0x1] =	stream.indirect.gather [hbm4b:s2+s5], $0x20, s3, s5, $0xb8;
	[tilespmem:$0xA000] =	vst v63  }
0x17: {  	s7 =	simm.s32 $0x6000;
	s8 =	simm.s32 $0x1  }
0x18: {  	[tilespmem:s7], [sflag:$0x2] =	stream.indirect.gather [hbm4b:s2+s5], $0x20, s5, s5, $0xb8;
	[tilespmem:$0xA000] =	vst v63  }
0x19: {  	_ =	swait.ge [sflag:s8], $0x4000  }
0x1a: {  	[sflag:s8] =	ssyncset.done $0x0  }
0x1b: {  	s9 =	rddreg [dreg:$0x4];
	[sflag:s8] =	ssyncadd.s32 $0xFFFFC000  }
0x1c: {  	[hbm4b:s9+s3] =	stream.linear.scatter [tilespmem:s6], [sflag:$0x3], $0x4000, $0x38;
	[tilespmem:$0xA000] =	vst v63  }
0x1d: {  	_ =	swait.ge [sflag:s4], $0x4000  }
0x1e: {  	[sflag:s4] =	ssyncset.done $0x0  }
0x1f: {  	s10 =	simm.s32 $0x2;
	s9 =	simm.s32 $0x400;
	[sflag:s4] =	ssyncadd.s32 $0xFFFFC000  }
0x20: {  	[tilespmem:s6], [sflag:$0x1] =	stream.indirect.gather [hbm4b:s2+s5], $0x20, s9, s5, $0xb8;
	[tilespmem:$0xA000] =	vst v63  }
0x21: {  	_ =	swait.ge [sflag:s10], $0x4000  }
0x22: {  	[sflag:s10] =	ssyncset.done $0x0  }
0x23: {  	s11 =	rddreg [dreg:$0x5];
	[sflag:s10] =	ssyncadd.s32 $0xFFFFC000  }
0x24: {  	[hbm4b:s11+s3] =	stream.linear.scatter [tilespmem:s7], [sflag:$0x3], $0x4000, $0x38;
	[tilespmem:$0xA000] =	vst v63  }
0x25: {  	_ =	swait.ge [sflag:s4], $0x4000  }
0x26: {  	[sflag:s4] =	ssyncset.done $0x0  }
0x27: {  	s11 =	simm.s32 $0x600;
	[sflag:s4] =	ssyncadd.s32 $0xFFFFC000  }
0x28: {  	[tilespmem:s7], [sflag:$0x2] =	stream.indirect.gather [hbm4b:s2+s5], $0x20, s11, s5, $0xb8;
	[tilespmem:$0xA000] =	vst v63  }
0x29: {  	_ =	swait.ge [sflag:s8], $0x4000  }
0x2a: {  	[sflag:s8] =	ssyncset.done $0x0  }
0x2b: {  	s12 =	rddreg [dreg:$0x6];
	[sflag:s8] =	ssyncadd.s32 $0xFFFFC000  }
0x2c: {  	[hbm4b:s12+s3] =	stream.linear.scatter [tilespmem:s6], [sflag:$0x3], $0x4000, $0x38;
	[tilespmem:$0xA000] =	vst v63  }
0x2d: {  	_ =	swait.ge [sflag:s4], $0x4000  }
0x2e: {  	[sflag:s4] =	ssyncset.done $0x0  }
0x2f: {  	s12 =	simm.s32 $0x800;
	[sflag:s4] =	ssyncadd.s32 $0xFFFFC000  }
0x30: {  	[tilespmem:s6], [sflag:$0x1] =	stream.indirect.gather [hbm4b:s2+s5], $0x20, s12, s5, $0xb8;
	[tilespmem:$0xA000] =	vst v63  }
0x31: {  	_ =	swait.ge [sflag:s10], $0x4000  }
0x32: {  	[sflag:s10] =	ssyncset.done $0x0  }
0x33: {  	s13 =	rddreg [dreg:$0x7];
	[sflag:s10] =	ssyncadd.s32 $0xFFFFC000  }
0x34: {  	[hbm4b:s13+s3] =	stream.linear.scatter [tilespmem:s7], [sflag:$0x3], $0x4000, $0x38;
	[tilespmem:$0xA000] =	vst v63  }
0x35: {  	_ =	swait.ge [sflag:s4], $0x4000  }
0x36: {  	[sflag:s4] =	ssyncset.done $0x0  }
0x37: {  	s13 =	simm.s32 $0xA00;
	[sflag:s4] =	ssyncadd.s32 $0xFFFFC000  }
0x38: {  	[tilespmem:s7], [sflag:$0x2] =	stream.indirect.gather [hbm4b:s2+s5], $0x20, s13, s5, $0xb8;
	[tilespmem:$0xA000] =	vst v63  }
0x39: {  	_ =	swait.ge [sflag:s8], $0x4000  }
0x3a: {  	[sflag:s8] =	ssyncset.done $0x0  }
0x3b: {  	s14 =	rddreg [dreg:$0x8];
	[sflag:s8] =	ssyncadd.s32 $0xFFFFC000  }
0x3c: {  	[hbm4b:s14+s3] =	stream.linear.scatter [tilespmem:s6], [sflag:$0x3], $0x4000, $0x38;
	[tilespmem:$0xA000] =	vst v63  }
0x3d: {  	_ =	swait.ge [sflag:s4], $0x4000  }
0x3e: {  	[sflag:s4] =	ssyncset.done $0x0  }
0x3f: {  	s14 =	simm.s32 $0xC00;
	[sflag:s4] =	ssyncadd.s32 $0xFFFFC000  }
0x40: {  	[tilespmem:s6], [sflag:$0x1] =	stream.indirect.gather [hbm4b:s2+s5], $0x20, s14, s5, $0xb8;
	[tilespmem:$0xA000] =	vst v63  }
0x41: {  	_ =	swait.ge [sflag:s10], $0x4000  }
0x42: {  	[sflag:s10] =	ssyncset.done $0x0  }
0x43: {  	s15 =	rddreg [dreg:$0x9];
	[sflag:s10] =	ssyncadd.s32 $0xFFFFC000  }
0x44: {  	[hbm4b:s15+s3] =	stream.linear.scatter [tilespmem:s7], [sflag:$0x3], $0x4000, $0x38;
	[tilespmem:$0xA000] =	vst v63  }
0x45: {  	_ =	swait.ge [sflag:s4], $0x4000  }
0x46: {  	[sflag:s4] =	ssyncset.done $0x0  }
0x47: {  	s15 =	simm.s32 $0xE00;
	[sflag:s4] =	ssyncadd.s32 $0xFFFFC000  }
0x48: {  	[tilespmem:s7], [sflag:$0x2] =	stream.indirect.gather [hbm4b:s2+s5], $0x20, s15, s5, $0xb8;
	[tilespmem:$0xA000] =	vst v63  }
0x49: {  	_ =	swait.ge [sflag:s8], $0x4000  }
0x4a: {  	[sflag:s8] =	ssyncset.done $0x0  }
0x4b: {  	s16 =	rddreg [dreg:$0xa];
	[sflag:s8] =	ssyncadd.s32 $0xFFFFC000  }
0x4c: {  	[hbm4b:s16+s3] =	stream.linear.scatter [tilespmem:s6], [sflag:$0x3], $0x4000, $0x38;
	[tilespmem:$0xA000] =	vst v63  }
0x4d: {  	_ =	swait.ge [sflag:s4], $0x4000  }
0x4e: {  	[sflag:s4] =	ssyncset.done $0x0  }
0x4f: {  	s16 =	simm.s32 $0x1000;
	[sflag:s4] =	ssyncadd.s32 $0xFFFFC000  }
0x50: {  	[tilespmem:s6], [sflag:$0x1] =	stream.indirect.gather [hbm4b:s2+s5], $0x20, s16, s5, $0xb8;
	[tilespmem:$0xA000] =	vst v63  }
0x51: {  	_ =	swait.ge [sflag:s10], $0x4000  }
0x52: {  	[sflag:s10] =	ssyncset.done $0x0  }
0x53: {  	s17 =	rddreg [dreg:$0xb];
	[sflag:s10] =	ssyncadd.s32 $0xFFFFC000  }
0x54: {  	[hbm4b:s17+s3] =	stream.linear.scatter [tilespmem:s7], [sflag:$0x3], $0x4000, $0x38;
	[tilespmem:$0xA000] =	vst v63  }
0x55: {  	_ =	swait.ge [sflag:s4], $0x4000  }
0x56: {  	[sflag:s4] =	ssyncset.done $0x0  }
0x57: {  	s17 =	simm.s32 $0x1200;
	[sflag:s4] =	ssyncadd.s32 $0xFFFFC000  }
0x58: {  	[tilespmem:s7], [sflag:$0x2] =	stream.indirect.gather [hbm4b:s2+s5], $0x20, s17, s5, $0xb8;
	[tilespmem:$0xA000] =	vst v63  }
0x59: {  	_ =	swait.ge [sflag:s8], $0x4000  }
0x5a: {  	[sflag:s8] =	ssyncset.done $0x0  }
0x5b: {  	s18 =	rddreg [dreg:$0xc];
	[sflag:s8] =	ssyncadd.s32 $0xFFFFC000  }
0x5c: {  	[hbm4b:s18+s3] =	stream.linear.scatter [tilespmem:s6], [sflag:$0x3], $0x4000, $0x38;
	[tilespmem:$0xA000] =	vst v63  }
0x5d: {  	_ =	swait.ge [sflag:s4], $0x4000  }
0x5e: {  	[sflag:s4] =	ssyncset.done $0x0  }
0x5f: {  	s18 =	simm.s32 $0x1400;
	[sflag:s4] =	ssyncadd.s32 $0xFFFFC000  }
0x60: {  	[tilespmem:s6], [sflag:$0x1] =	stream.indirect.gather [hbm4b:s2+s5], $0x20, s18, s5, $0xb8;
	[tilespmem:$0xA000] =	vst v63  }
0x61: {  	_ =	swait.ge [sflag:s10], $0x4000  }
0x62: {  	[sflag:s10] =	ssyncset.done $0x0  }
0x63: {  	s19 =	sadd.s32 $0xC800, s31;
	[sflag:s10] =	ssyncadd.s32 $0xFFFFC000  }
0x64: {  	[hbm4b:s19+s3] =	stream.linear.scatter [tilespmem:s7], [sflag:$0x3], $0x4000, $0x38;
	[tilespmem:$0xA000] =	vst v63  }
0x65: {  	_ =	swait.ge [sflag:s4], $0x4000  }
0x66: {  	[sflag:s4] =	ssyncset.done $0x0  }
0x67: {  	s20 =	simm.s32 $0x1600;
	[sflag:s4] =	ssyncadd.s32 $0xFFFFC000  }
0x68: {  	[tilespmem:s7], [sflag:$0x2] =	stream.indirect.gather [hbm4b:s2+s5], $0x20, s20, s5, $0xb8;
	[tilespmem:$0xA000] =	vst v63  }
0x69: {  	_ =	swait.ge [sflag:s8], $0x4000  }
0x6a: {  	[sflag:s8] =	ssyncset.done $0x0  }
0x6b: {  	s21 =	sadd.s32 $0xD000, s31;
	[sflag:s8] =	ssyncadd.s32 $0xFFFFC000  }
0x6c: {  	[hbm4b:s21+s3] =	stream.linear.scatter [tilespmem:s6], [sflag:$0x3], $0x4000, $0x38;
	[tilespmem:$0xA000] =	vst v63  }
0x6d: {  	_ =	swait.ge [sflag:s4], $0x4000  }
0x6e: {  	[sflag:s4] =	ssyncset.done $0x0  }
0x6f: {  	s22 =	simm.s32 $0x1800;
	[sflag:s4] =	ssyncadd.s32 $0xFFFFC000  }
0x70: {  	[tilespmem:s6], [sflag:$0x1] =	stream.indirect.gather [hbm4b:s2+s5], $0x20, s22, s5, $0xb8;
	[tilespmem:$0xA000] =	vst v63  }
0x71: {  	_ =	swait.ge [sflag:s10], $0x4000  }
0x72: {  	[sflag:s10] =	ssyncset.done $0x0  }
0x73: {  	s23 =	sadd.s32 $0xD800, s31;
	[sflag:s10] =	ssyncadd.s32 $0xFFFFC000  }
0x74: {  	[hbm4b:s23+s3] =	stream.linear.scatter [tilespmem:s7], [sflag:$0x3], $0x4000, $0x38;
	[tilespmem:$0xA000] =	vst v63  }
0x75: {  	_ =	swait.ge [sflag:s4], $0x4000  }
0x76: {  	[sflag:s4] =	ssyncset.done $0x0  }
0x77: {  	s24 =	simm.s32 $0x1A00;
	[sflag:s4] =	ssyncadd.s32 $0xFFFFC000  }
0x78: {  	[tilespmem:s7], [sflag:$0x2] =	stream.indirect.gather [hbm4b:s2+s5], $0x20, s24, s5, $0xb8;
	[tilespmem:$0xA000] =	vst v63  }
0x79: {  	_ =	swait.ge [sflag:s8], $0x4000  }
0x7a: {  	[sflag:s8] =	ssyncset.done $0x0  }
0x7b: {  	s25 =	sadd.s32 $0xE000, s31;
	[sflag:s8] =	ssyncadd.s32 $0xFFFFC000  }
0x7c: {  	[hbm4b:s25+s3] =	stream.linear.scatter [tilespmem:s6], [sflag:$0x3], $0x4000, $0x38;
	[tilespmem:$0xA000] =	vst v63  }
0x7d: {  	_ =	swait.ge [sflag:s4], $0x4000  }
0x7e: {  	[sflag:s4] =	ssyncset.done $0x0  }
0x7f: {  	s26 =	simm.s32 $0x1C00;
	[sflag:s4] =	ssyncadd.s32 $0xFFFFC000  }
0x80: {  	[tilespmem:s6], [sflag:$0x1] =	stream.indirect.gather [hbm4b:s2+s5], $0x20, s26, s5, $0xb8;
	[tilespmem:$0xA000] =	vst v63  }
0x81: {  	_ =	swait.ge [sflag:s10], $0x4000  }
0x82: {  	[sflag:s10] =	ssyncset.done $0x0  }
0x83: {  	s28 =	sadd.s32 $0xE800, s31;
	[sflag:s10] =	ssyncadd.s32 $0xFFFFC000  }
0x84: {  	[hbm4b:s28+s3] =	stream.linear.scatter [tilespmem:s7], [sflag:$0x3], $0x4000, $0x38;
	[tilespmem:$0xA000] =	vst v63  }
0x85: {  	_ =	swait.ge [sflag:s4], $0x4000  }
0x86: {  	[sflag:s4] =	ssyncset.done $0x0  }
0x87: {  	s29 =	simm.s32 $0x1E00;
	[sflag:s4] =	ssyncadd.s32 $0xFFFFC000  }
0x88: {  	[tilespmem:s7], [sflag:$0x2] =	stream.indirect.gather [hbm4b:s2+s5], $0x20, s29, s5, $0xb8;
	[tilespmem:$0xA000] =	vst v63  }
0x89: {  	_ =	swait.ge [sflag:s8], $0x4000  }
0x8a: {  	s1 =	ssub.s32 $0x2, s1;
	[sflag:s8] =	ssyncset.done $0x0  }
0x8b: {  	s0 =	sshrl.u32 s1, $0x1;
	s30 =	sadd.s32 $0xF000, s31;
	[sflag:s8] =	ssyncadd.s32 $0xFFFFC000  }
0x8c: {  	[hbm4b:s30+s3] =	stream.linear.scatter [tilespmem:s6], [sflag:$0x3], $0x4000, $0x38;
	[tilespmem:$0xA000] =	vst v63  }
0x8d: {  	s0 =	ssub.s32 s1, s0;
	_ =	swait.ge [sflag:s4], $0x4000  }
0x8e: {  	s0 =	smax.u32 s0, $0x1;
	[sflag:s4] =	ssyncset.done $0x0  }
0x8f: {  	p0 =	sne.s32 s0, $0x1;
	[sflag:s4] =	ssyncadd.s32 $0xFFFFC000  }
.Ltmp0:
0x90: {  	_ =	swait.ge [sflag:s10], $0x4000;
	(pc) =	sbr.rel @!p0 .LBB2_2-.Ltmp0, $4  }
0x91: {  	[sflag:s10] =	ssyncset.done $0x0  }
0x92: {  	s31 =	sadd.s32 $0xF800, s31;
	[sflag:s10] =	ssyncadd.s32 $0xFFFFC000  }
0x93: {  	[hbm4b:s31+s3] =	stream.linear.scatter [tilespmem:s7], [sflag:$0x3], $0x4000, $0x38;
	[tilespmem:$0xA000] =	vst v63  }
0x94: {  	s1 =	sadd.s32 $0xFFFFFFFF, s0;
	_ =	swait.ge [sflag:s4], $0x4000  }
.LBB2_1:
0x95: {  	[sflag:s4] =	ssyncset.done $0x0  }
0x96: {  	s0 =	rddreg [dreg:$0x3];
	[sflag:s4] =	ssyncadd.s32 $0xFFFFC000  }
0x97: {  	[tilespmem:s3], [sflag:$0x3] =	stream.linear.gather [hbm4b:s0+s3], $0x2000, $0x38;
	[tilespmem:$0xA000] =	vst v63  }
0x98: {  	_ =	swait.ge [sflag:s4], $0x2000  }
0x99: {  	[sflag:s4] =	ssyncset.done $0x0  }
0x9a: {  	[sflag:s4] =	ssyncadd.s32 $0xFFFFE000  }
0x9b: {  	[tilespmem:s6], [sflag:$0x1] =	stream.indirect.gather [hbm4b:s2+s5], $0x20, s3, s5, $0xb8;
	[tilespmem:$0xA000] =	vst v63  }
0x9c: {  	_ = 	snop  }
0x9d: {  	[tilespmem:s7], [sflag:$0x2] =	stream.indirect.gather [hbm4b:s2+s5], $0x20, s5, s5, $0xb8;
	[tilespmem:$0xA000] =	vst v63  }
0x9e: {  	_ =	swait.ge [sflag:s8], $0x4000  }
0x9f: {  	[sflag:s8] =	ssyncset.done $0x0  }
0xa0: {  	s0 =	rddreg [dreg:$0x4];
	[sflag:s8] =	ssyncadd.s32 $0xFFFFC000  }
0xa1: {  	[hbm4b:s0+s3] =	stream.linear.scatter [tilespmem:s6], [sflag:$0x3], $0x4000, $0x38;
	[tilespmem:$0xA000] =	vst v63  }
0xa2: {  	_ =	swait.ge [sflag:s4], $0x4000  }
0xa3: {  	[sflag:s4] =	ssyncset.done $0x0  }
0xa4: {  	[sflag:s4] =	ssyncadd.s32 $0xFFFFC000  }
0xa5: {  	[tilespmem:s6], [sflag:$0x1] =	stream.indirect.gather [hbm4b:s2+s5], $0x20, s9, s5, $0xb8;
	[tilespmem:$0xA000] =	vst v63  }
0xa6: {  	_ =	swait.ge [sflag:s10], $0x4000  }
0xa7: {  	[sflag:s10] =	ssyncset.done $0x0  }
0xa8: {  	s0 =	rddreg [dreg:$0x5];
	[sflag:s10] =	ssyncadd.s32 $0xFFFFC000  }
0xa9: {  	[hbm4b:s0+s3] =	stream.linear.scatter [tilespmem:s7], [sflag:$0x3], $0x4000, $0x38;
	[tilespmem:$0xA000] =	vst v63  }
0xaa: {  	_ =	swait.ge [sflag:s4], $0x4000  }
0xab: {  	[sflag:s4] =	ssyncset.done $0x0  }
0xac: {  	[sflag:s4] =	ssyncadd.s32 $0xFFFFC000  }
0xad: {  	[tilespmem:s7], [sflag:$0x2] =	stream.indirect.gather [hbm4b:s2+s5], $0x20, s11, s5, $0xb8;
	[tilespmem:$0xA000] =	vst v63  }
0xae: {  	_ =	swait.ge [sflag:s8], $0x4000  }
0xaf: {  	[sflag:s8] =	ssyncset.done $0x0  }
0xb0: {  	s0 =	rddreg [dreg:$0x6];
	[sflag:s8] =	ssyncadd.s32 $0xFFFFC000  }
0xb1: {  	[hbm4b:s0+s3] =	stream.linear.scatter [tilespmem:s6], [sflag:$0x3], $0x4000, $0x38;
	[tilespmem:$0xA000] =	vst v63  }
0xb2: {  	_ =	swait.ge [sflag:s4], $0x4000  }
0xb3: {  	[sflag:s4] =	ssyncset.done $0x0  }
0xb4: {  	[sflag:s4] =	ssyncadd.s32 $0xFFFFC000  }
0xb5: {  	[tilespmem:s6], [sflag:$0x1] =	stream.indirect.gather [hbm4b:s2+s5], $0x20, s12, s5, $0xb8;
	[tilespmem:$0xA000] =	vst v63  }
0xb6: {  	_ =	swait.ge [sflag:s10], $0x4000  }
0xb7: {  	[sflag:s10] =	ssyncset.done $0x0  }
0xb8: {  	s0 =	rddreg [dreg:$0x7];
	[sflag:s10] =	ssyncadd.s32 $0xFFFFC000  }
0xb9: {  	[hbm4b:s0+s3] =	stream.linear.scatter [tilespmem:s7], [sflag:$0x3], $0x4000, $0x38;
	[tilespmem:$0xA000] =	vst v63  }
0xba: {  	_ =	swait.ge [sflag:s4], $0x4000  }
0xbb: {  	[sflag:s4] =	ssyncset.done $0x0  }
0xbc: {  	[sflag:s4] =	ssyncadd.s32 $0xFFFFC000  }
0xbd: {  	[tilespmem:s7], [sflag:$0x2] =	stream.indirect.gather [hbm4b:s2+s5], $0x20, s13, s5, $0xb8;
	[tilespmem:$0xA000] =	vst v63  }
0xbe: {  	_ =	swait.ge [sflag:s8], $0x4000  }
0xbf: {  	[sflag:s8] =	ssyncset.done $0x0  }
0xc0: {  	s0 =	rddreg [dreg:$0x8];
	[sflag:s8] =	ssyncadd.s32 $0xFFFFC000  }
0xc1: {  	[hbm4b:s0+s3] =	stream.linear.scatter [tilespmem:s6], [sflag:$0x3], $0x4000, $0x38;
	[tilespmem:$0xA000] =	vst v63  }
0xc2: {  	_ =	swait.ge [sflag:s4], $0x4000  }
0xc3: {  	[sflag:s4] =	ssyncset.done $0x0  }
0xc4: {  	[sflag:s4] =	ssyncadd.s32 $0xFFFFC000  }
0xc5: {  	[tilespmem:s6], [sflag:$0x1] =	stream.indirect.gather [hbm4b:s2+s5], $0x20, s14, s5, $0xb8;
	[tilespmem:$0xA000] =	vst v63  }
0xc6: {  	_ =	swait.ge [sflag:s10], $0x4000  }
0xc7: {  	[sflag:s10] =	ssyncset.done $0x0  }
0xc8: {  	s0 =	rddreg [dreg:$0x9];
	[sflag:s10] =	ssyncadd.s32 $0xFFFFC000  }
0xc9: {  	[hbm4b:s0+s3] =	stream.linear.scatter [tilespmem:s7], [sflag:$0x3], $0x4000, $0x38;
	[tilespmem:$0xA000] =	vst v63  }
0xca: {  	_ =	swait.ge [sflag:s4], $0x4000  }
0xcb: {  	[sflag:s4] =	ssyncset.done $0x0  }
0xcc: {  	[sflag:s4] =	ssyncadd.s32 $0xFFFFC000  }
0xcd: {  	[tilespmem:s7], [sflag:$0x2] =	stream.indirect.gather [hbm4b:s2+s5], $0x20, s15, s5, $0xb8;
	[tilespmem:$0xA000] =	vst v63  }
0xce: {  	_ =	swait.ge [sflag:s8], $0x4000  }
0xcf: {  	[sflag:s8] =	ssyncset.done $0x0  }
0xd0: {  	s0 =	rddreg [dreg:$0xa];
	[sflag:s8] =	ssyncadd.s32 $0xFFFFC000  }
0xd1: {  	[hbm4b:s0+s3] =	stream.linear.scatter [tilespmem:s6], [sflag:$0x3], $0x4000, $0x38;
	[tilespmem:$0xA000] =	vst v63  }
0xd2: {  	_ =	swait.ge [sflag:s4], $0x4000  }
0xd3: {  	[sflag:s4] =	ssyncset.done $0x0  }
0xd4: {  	[sflag:s4] =	ssyncadd.s32 $0xFFFFC000  }
0xd5: {  	[tilespmem:s6], [sflag:$0x1] =	stream.indirect.gather [hbm4b:s2+s5], $0x20, s16, s5, $0xb8;
	[tilespmem:$0xA000] =	vst v63  }
0xd6: {  	_ =	swait.ge [sflag:s10], $0x4000  }
0xd7: {  	[sflag:s10] =	ssyncset.done $0x0  }
0xd8: {  	s0 =	rddreg [dreg:$0xb];
	[sflag:s10] =	ssyncadd.s32 $0xFFFFC000  }
0xd9: {  	[hbm4b:s0+s3] =	stream.linear.scatter [tilespmem:s7], [sflag:$0x3], $0x4000, $0x38;
	[tilespmem:$0xA000] =	vst v63  }
0xda: {  	_ =	swait.ge [sflag:s4], $0x4000  }
0xdb: {  	[sflag:s4] =	ssyncset.done $0x0  }
0xdc: {  	[sflag:s4] =	ssyncadd.s32 $0xFFFFC000  }
0xdd: {  	[tilespmem:s7], [sflag:$0x2] =	stream.indirect.gather [hbm4b:s2+s5], $0x20, s17, s5, $0xb8;
	[tilespmem:$0xA000] =	vst v63  }
0xde: {  	_ =	swait.ge [sflag:s8], $0x4000  }
0xdf: {  	[sflag:s8] =	ssyncset.done $0x0  }
0xe0: {  	s0 =	rddreg [dreg:$0xc];
	[sflag:s8] =	ssyncadd.s32 $0xFFFFC000  }
0xe1: {  	[hbm4b:s0+s3] =	stream.linear.scatter [tilespmem:s6], [sflag:$0x3], $0x4000, $0x38;
	[tilespmem:$0xA000] =	vst v63  }
0xe2: {  	_ =	swait.ge [sflag:s4], $0x4000  }
0xe3: {  	[sflag:s4] =	ssyncset.done $0x0  }
0xe4: {  	[sflag:s4] =	ssyncadd.s32 $0xFFFFC000  }
0xe5: {  	[tilespmem:s6], [sflag:$0x1] =	stream.indirect.gather [hbm4b:s2+s5], $0x20, s18, s5, $0xb8;
	[tilespmem:$0xA000] =	vst v63  }
0xe6: {  	_ =	swait.ge [sflag:s10], $0x4000  }
0xe7: {  	[sflag:s10] =	ssyncset.done $0x0  }
0xe8: {  	[sflag:s10] =	ssyncadd.s32 $0xFFFFC000  }
0xe9: {  	[hbm4b:s19+s3] =	stream.linear.scatter [tilespmem:s7], [sflag:$0x3], $0x4000, $0x38;
	[tilespmem:$0xA000] =	vst v63  }
0xea: {  	_ =	swait.ge [sflag:s4], $0x4000  }
0xeb: {  	[sflag:s4] =	ssyncset.done $0x0  }
0xec: {  	[sflag:s4] =	ssyncadd.s32 $0xFFFFC000  }
0xed: {  	[tilespmem:s7], [sflag:$0x2] =	stream.indirect.gather [hbm4b:s2+s5], $0x20, s20, s5, $0xb8;
	[tilespmem:$0xA000] =	vst v63  }
0xee: {  	_ =	swait.ge [sflag:s8], $0x4000  }
0xef: {  	[sflag:s8] =	ssyncset.done $0x0  }
0xf0: {  	[sflag:s8] =	ssyncadd.s32 $0xFFFFC000  }
0xf1: {  	[hbm4b:s21+s3] =	stream.linear.scatter [tilespmem:s6], [sflag:$0x3], $0x4000, $0x38;
	[tilespmem:$0xA000] =	vst v63  }
0xf2: {  	_ =	swait.ge [sflag:s4], $0x4000  }
0xf3: {  	[sflag:s4] =	ssyncset.done $0x0  }
0xf4: {  	[sflag:s4] =	ssyncadd.s32 $0xFFFFC000  }
0xf5: {  	[tilespmem:s6], [sflag:$0x1] =	stream.indirect.gather [hbm4b:s2+s5], $0x20, s22, s5, $0xb8;
	[tilespmem:$0xA000] =	vst v63  }
0xf6: {  	_ =	swait.ge [sflag:s10], $0x4000  }
0xf7: {  	[sflag:s10] =	ssyncset.done $0x0  }
0xf8: {  	[sflag:s10] =	ssyncadd.s32 $0xFFFFC000  }
0xf9: {  	[hbm4b:s23+s3] =	stream.linear.scatter [tilespmem:s7], [sflag:$0x3], $0x4000, $0x38;
	[tilespmem:$0xA000] =	vst v63  }
0xfa: {  	_ =	swait.ge [sflag:s4], $0x4000  }
0xfb: {  	[sflag:s4] =	ssyncset.done $0x0  }
0xfc: {  	[sflag:s4] =	ssyncadd.s32 $0xFFFFC000  }
0xfd: {  	[tilespmem:s7], [sflag:$0x2] =	stream.indirect.gather [hbm4b:s2+s5], $0x20, s24, s5, $0xb8;
	[tilespmem:$0xA000] =	vst v63  }
0xfe: {  	_ =	swait.ge [sflag:s8], $0x4000  }
0xff: {  	[sflag:s8] =	ssyncset.done $0x0  }
0x100: {  	[sflag:s8] =	ssyncadd.s32 $0xFFFFC000  }
0x101: {  	[hbm4b:s25+s3] =	stream.linear.scatter [tilespmem:s6], [sflag:$0x3], $0x4000, $0x38;
	[tilespmem:$0xA000] =	vst v63  }
0x102: {  	_ =	swait.ge [sflag:s4], $0x4000  }
0x103: {  	[sflag:s4] =	ssyncset.done $0x0  }
0x104: {  	[sflag:s4] =	ssyncadd.s32 $0xFFFFC000  }
0x105: {  	[tilespmem:s6], [sflag:$0x1] =	stream.indirect.gather [hbm4b:s2+s5], $0x20, s26, s5, $0xb8;
	[tilespmem:$0xA000] =	vst v63  }
0x106: {  	_ =	swait.ge [sflag:s10], $0x4000  }
0x107: {  	[sflag:s10] =	ssyncset.done $0x0  }
0x108: {  	[sflag:s10] =	ssyncadd.s32 $0xFFFFC000  }
0x109: {  	[hbm4b:s28+s3] =	stream.linear.scatter [tilespmem:s7], [sflag:$0x3], $0x4000, $0x38;
	[tilespmem:$0xA000] =	vst v63  }
0x10a: {  	_ =	swait.ge [sflag:s4], $0x4000  }
0x10b: {  	[sflag:s4] =	ssyncset.done $0x0  }
0x10c: {  	[sflag:s4] =	ssyncadd.s32 $0xFFFFC000  }
0x10d: {  	[tilespmem:s7], [sflag:$0x2] =	stream.indirect.gather [hbm4b:s2+s5], $0x20, s29, s5, $0xb8;
	[tilespmem:$0xA000] =	vst v63  }
0x10e: {  	_ =	swait.ge [sflag:s8], $0x4000  }
0x10f: {  	[sflag:s8] =	ssyncset.done $0x0  }
0x110: {  	[sflag:s8] =	ssyncadd.s32 $0xFFFFC000  }
0x111: {  	[hbm4b:s30+s3] =	stream.linear.scatter [tilespmem:s6], [sflag:$0x3], $0x4000, $0x38;
	[tilespmem:$0xA000] =	vst v63  }
0x112: {  	_ =	swait.ge [sflag:s4], $0x4000  }
0x113: {  	[sflag:s4] =	ssyncset.done $0x0  }
0x114: {  	p0 =	sne.s32 s1, $0x1;
	[sflag:s4] =	ssyncadd.s32 $0xFFFFC000  }
.Ltmp1:
0x115: {  	_ =	swait.ge [sflag:s10], $0x4000;
	(pc) =	sbr.rel @p0 .LBB2_1-.Ltmp1, $4  }
0x116: {  	[sflag:s10] =	ssyncset.done $0x0  }
0x117: {  	[sflag:s10] =	ssyncadd.s32 $0xFFFFC000  }
0x118: {  	[hbm4b:s31+s3] =	stream.linear.scatter [tilespmem:s7], [sflag:$0x3], $0x4000, $0x38;
	[tilespmem:$0xA000] =	vst v63  }
0x119: {  	s1 =	sadd.s32 $0xFFFFFFFF, s1;
	_ =	swait.ge [sflag:s4], $0x4000  }
.LBB2_2:
0x11a: {  	[sflag:s4] =	ssyncset.done $0x0  }
0x11b: {  	[sflag:s4] =	ssyncadd.s32 $0xFFFFC000  }
0x11c: {  	_ =	sfence.sel $0x180000  }
0x11d: {  	[bflag:$0x0] =	sbarrier.arrive $0xFFFF  }
0x11e: {  	_ =	strace $0x90000047  }
0x11f: {  	s0 =	stileid.u32;
	[bflag:$0x2] =	sbarrier.arrive $0xFFFF  }
0x120: {  	p0 =	sne.s32 s0, $0x0;
	s0 =	rddreg [dreg:$0x2]  }
0x121: {  	s0 =	sadd.s32 @!p0 $0x100000, s0  }
0x122: {  	[sflag:s0] =	ssyncadd.tile.s32 @!p0 $0x1;
	_ =	shalt  }
.Lfunc_end2:
_tile_overlayer_lowered:
.L_overlay_start_2:
0x123: {  	(tag) =	ssettag $0x2  }
0x124: {  	s0 =	rddreg [dreg:$0x0];
	s2 =	stileid.u32  }
0x125: {  	s1 =	rddreg [dreg:$0x1];
	p0 =	sne.s32 s2, $0x0  }
0x126: {  	s3 =	rddreg [dreg:$0x2];
	[bflag:$0x3] =	sbarrier.arrive $0xFFFF;
	s2 =	simm.s32 @!p0 $0x1C03  }
0x127: {  	[timem:s3], [sflag:s2] =	dma.local @!p0 [hbm:s0], s1  }
0x128: {  	s0 =	simm.s32 @!p0 $0x3  }
0x129: {  	_ =	swait.ge @!p0 [sflag:s0], s1  }
0x12a: {  	s1 =	ssub.s32 @!p0 $0x0, s1;
	[sflag:s0] =	ssyncset.done @!p0 $0x0  }
0x12b: {  	[sflag:s0] =	ssyncadd.s32 @!p0 s1  }
0x12c: {  	[bflag:$0x3] =	sbarrier.arrive $0xFFFF  }
0x12d: {  	_ =	shalt  }

</sc_bundles>
